<compile_context>
chip_gen: v7x
topology: tpu7x:2x2x1
jax: 0.10.2.dev20260603
libtpu: 0.0.44.dev20260713+nightly
codegen_flags: <defaults>
</compile_context>

<pallas_src>
import jax
import jax.numpy as jnp
from jax import lax
from jax.experimental import pallas as pl
from jax.experimental.pallas import tpu as pltpu
from jax.experimental.pallas import tpu_sc as plsc

B, S, D = 4, 8192, 1024
NC, NS = 2, 16
NW = NC * NS
SEQ_W = S // NW
R = 8
NCHUNK = SEQ_W // R
NSET = 3
LANES = 16
VPR = D // LANES


def _pos_add_body(x_hbm, pos_hbm, out_hbm, *scratch):
    p_buf = scratch[0:3]
    x_buf = scratch[3:6]
    p_sem = scratch[6:9]
    x_sem = scratch[9:12]
    wid = lax.axis_index("s") * NC + lax.axis_index("c")
    s_base = wid * SEQ_W

    def fire_loads(par, s0):
        pltpu.async_copy(pos_hbm.at[pl.ds(s0, R), :], p_buf[par], p_sem[par])
        pltpu.async_copy(
            x_hbm.at[:, pl.ds(s0, R), :], x_buf[par], x_sem[par]
        )

    def wait_loads(par, s0):
        pltpu.make_async_copy(
            pos_hbm.at[pl.ds(s0, R), :], p_buf[par], p_sem[par]
        ).wait()
        pltpu.make_async_copy(
            x_hbm.at[:, pl.ds(s0, R), :], x_buf[par], x_sem[par]
        ).wait()

    def fire_stores(par, s0):
        pltpu.async_copy(
            x_buf[par], out_hbm.at[:, pl.ds(s0, R), :], x_sem[par]
        )

    def wait_stores(par, s0):
        pltpu.make_async_copy(
            x_buf[par], out_hbm.at[:, pl.ds(s0, R), :], x_sem[par]
        ).wait()

    def add_chunk(par):
        @plsc.parallel_loop(0, R * VPR, step=1, unroll=4)
        def strip_body(k):
            i = lax.shift_right_logical(k, 6)
            j = lax.bitwise_and(k, VPR - 1)
            sl = pl.ds(j * LANES, LANES)
            pv = p_buf[par][i, sl]
            for b in range(B):
                plsc.addupdate(x_buf[par].at[b, i, sl], pv)

    def compute(par, s0):
        wait_loads(par, s0)
        add_chunk(par)
        fire_stores(par, s0)

    fire_loads(0, s_base)
    fire_loads(1, s_base + R)
    compute(0, s_base)
    fire_loads(2, s_base + 2 * R)
    compute(1, s_base + R)

    def steady_body(r, carry):
        s0 = s_base + (3 * r + 2) * R
        for k in range(NSET):
            kset = (2 + k) % NSET
            wait_stores(k, s0 + (k - 2) * R)
            fire_loads(k, s0 + (k + 1) * R)
            compute(kset, s0 + k * R)
        return carry

    lax.fori_loop(0, (NCHUNK - 5) // NSET, steady_body, 0)

    s29 = s_base + (NCHUNK - 3) * R
    wait_stores(0, s29 - 2 * R)
    fire_loads(0, s29 + R)
    compute(2, s29)
    wait_stores(1, s29 - R)
    fire_loads(1, s29 + 2 * R)
    compute(0, s29 + R)
    wait_stores(2, s29)
    compute(1, s29 + 2 * R)
    wait_stores(0, s29 + R)
    wait_stores(1, s29 + 2 * R)


def kernel(x, pos_table):
    kfn = pl.kernel(
        _pos_add_body,
        out_type=jax.ShapeDtypeStruct((B, S, D), jnp.float32),
        mesh=plsc.VectorSubcoreMesh(core_axis_name="c", subcore_axis_name="s"),
        scratch_types=(
            [pltpu.VMEM((R, D), jnp.float32) for _ in range(3)]
            + [pltpu.VMEM((B, R, D), jnp.float32) for _ in range(3)]
            + [pltpu.SemaphoreType.DMA for _ in range(6)]
        ),
    )
    return kfn(x, pos_table)

# --- scband reference (transcript-rebuilt; emitter-appended) ---
"""Pipeline reference for scband-positional-encoding-10539849744533 (READ-ONLY COPY).

The authoritative reference and input builder live on the scoring server;
editing this copy changes nothing except your own understanding.
"""

import jax, jax.numpy as jnp
import numpy as np

D_MODEL = 1024
MAX_SEQ_LEN = 8192

def setup_inputs(seed: int = 0) -> dict:
    key = jax.random.key(seed)
    k1, k2 = jax.random.split(key)
    x = jax.random.normal(k1, (4, 8192, D_MODEL), dtype=jnp.float32)
    pos_table = jax.random.normal(k2, (MAX_SEQ_LEN, D_MODEL), dtype=jnp.float32) * 0.02
    return {"x": x, "pos_table": pos_table}

def reference(x, pos_table):
    batch_size, seq_len, d_model = x.shape
    positions = jnp.arange(seq_len)
    pos_emb = jnp.take(pos_table, positions, axis=0)  # (seq_len, d_model)
    return x + pos_emb[None, :, :]

if __name__ == "__main__":
    import jax
    _d = setup_inputs()
    print(jax.jit(kernel)(*tuple(_d.values())))

</pallas_src>

<mosaic_0001>
#map = affine_map<(d0, d1) -> (0, 0, 0)>
#map1 = affine_map<(d0, d1) -> (0, 0)>
module attributes {stable_mosaic.version = 14 : i64} {
  func.func @_pos_add_body(%arg0: i32, %arg1: i32, %arg2: memref<4x8192x1024xf32, #tpu.memory_space<hbm>>, %arg3: memref<8192x1024xf32, #tpu.memory_space<hbm>>, %arg4: memref<4x8192x1024xf32, #tpu.memory_space<hbm>>, %arg5: memref<8x1024xf32, #tpu.memory_space<vmem>>, %arg6: memref<8x1024xf32, #tpu.memory_space<vmem>>, %arg7: memref<8x1024xf32, #tpu.memory_space<vmem>>, %arg8: memref<4x8x1024xf32, #tpu.memory_space<vmem>>, %arg9: memref<4x8x1024xf32, #tpu.memory_space<vmem>>, %arg10: memref<4x8x1024xf32, #tpu.memory_space<vmem>>, %arg11: memref<!tpu.dma_semaphore, #tpu.memory_space<semaphore_mem>>, %arg12: memref<!tpu.dma_semaphore, #tpu.memory_space<semaphore_mem>>, %arg13: memref<!tpu.dma_semaphore, #tpu.memory_space<semaphore_mem>>, %arg14: memref<!tpu.dma_semaphore, #tpu.memory_space<semaphore_mem>>, %arg15: memref<!tpu.dma_semaphore, #tpu.memory_space<semaphore_mem>>, %arg16: memref<!tpu.dma_semaphore, #tpu.memory_space<semaphore_mem>>) attributes {dimension_semantics = [#tpu.dimension_semantics<core_parallel>, #tpu.dimension_semantics<subcore_parallel>], iteration_bounds = array<i64: 2, 16>, scalar_prefetch = 0 : i64, scratch_operands = 12 : i64, tpu.core_type = #tpu.core_type<sc_vector_subcore>, window_params = [{transform_indices = #map}, {transform_indices = #map1}, {transform_indices = #map}]} {
    %mul3A = arith.constant 2 : i32
    %mul3A_0 = arith.muli %arg1, %mul3A : i32
    %add3A = arith.addi %mul3A_0, %arg0 : i32
    %mul3A_1 = arith.constant 256 : i32
    %mul3A_2 = arith.muli %add3A, %mul3A_1 : i32
    %dma_start3A = arith.constant 0 : i32
    %dma_start3A_3 = tpu.memref_slice %arg3[%mul3A_2, %dma_start3A] : memref<8192x1024xf32, #tpu.memory_space<hbm>> -> memref<8x1024xf32, #tpu.memory_space<hbm>>
    %dma_start3A_4 = arith.constant 0 : i32
    %dma_start3A_5 = tpu.memref_slice %arg3[%mul3A_2, %dma_start3A_4] : memref<8192x1024xf32, #tpu.memory_space<hbm>> -> memref<8x1024xf32, #tpu.memory_space<hbm>>
    tpu.enqueue_dma source(%dma_start3A_5 : memref<8x1024xf32, #tpu.memory_space<hbm>>) target(%arg5 : memref<8x1024xf32, #tpu.memory_space<vmem>>) target_semaphore(%arg11 : memref<!tpu.dma_semaphore, #tpu.memory_space<semaphore_mem>>)
    %dma_start3A_6 = arith.constant 0 : i32
    %dma_start3A_7 = arith.constant 0 : i32
    %dma_start3A_8 = tpu.memref_slice %arg2[%dma_start3A_6, %mul3A_2, %dma_start3A_7] : memref<4x8192x1024xf32, #tpu.memory_space<hbm>> -> memref<4x8x1024xf32, #tpu.memory_space<hbm>>
    %dma_start3A_9 = arith.constant 0 : i32
    %dma_start3A_10 = arith.constant 0 : i32
    %dma_start3A_11 = tpu.memref_slice %arg2[%dma_start3A_9, %mul3A_2, %dma_start3A_10] : memref<4x8192x1024xf32, #tpu.memory_space<hbm>> -> memref<4x8x1024xf32, #tpu.memory_space<hbm>>
    tpu.enqueue_dma source(%dma_start3A_11 : memref<4x8x1024xf32, #tpu.memory_space<hbm>>) target(%arg8 : memref<4x8x1024xf32, #tpu.memory_space<vmem>>) target_semaphore(%arg14 : memref<!tpu.dma_semaphore, #tpu.memory_space<semaphore_mem>>)
    %add3A_12 = arith.constant 8 : i32
    %add3A_13 = arith.addi %mul3A_2, %add3A_12 : i32
    %dma_start3A_14 = arith.constant 0 : i32
    %dma_start3A_15 = tpu.memref_slice %arg3[%add3A_13, %dma_start3A_14] : memref<8192x1024xf32, #tpu.memory_space<hbm>> -> memref<8x1024xf32, #tpu.memory_space<hbm>>
    %dma_start3A_16 = arith.constant 0 : i32
    %dma_start3A_17 = tpu.memref_slice %arg3[%add3A_13, %dma_start3A_16] : memref<8192x1024xf32, #tpu.memory_space<hbm>> -> memref<8x1024xf32, #tpu.memory_space<hbm>>
    tpu.enqueue_dma source(%dma_start3A_17 : memref<8x1024xf32, #tpu.memory_space<hbm>>) target(%arg6 : memref<8x1024xf32, #tpu.memory_space<vmem>>) target_semaphore(%arg12 : memref<!tpu.dma_semaphore, #tpu.memory_space<semaphore_mem>>)
    %dma_start3A_18 = arith.constant 0 : i32
    %dma_start3A_19 = arith.constant 0 : i32
    %dma_start3A_20 = tpu.memref_slice %arg2[%dma_start3A_18, %add3A_13, %dma_start3A_19] : memref<4x8192x1024xf32, #tpu.memory_space<hbm>> -> memref<4x8x1024xf32, #tpu.memory_space<hbm>>
    %dma_start3A_21 = arith.constant 0 : i32
    %dma_start3A_22 = arith.constant 0 : i32
    %dma_start3A_23 = tpu.memref_slice %arg2[%dma_start3A_21, %add3A_13, %dma_start3A_22] : memref<4x8192x1024xf32, #tpu.memory_space<hbm>> -> memref<4x8x1024xf32, #tpu.memory_space<hbm>>
    tpu.enqueue_dma source(%dma_start3A_23 : memref<4x8x1024xf32, #tpu.memory_space<hbm>>) target(%arg9 : memref<4x8x1024xf32, #tpu.memory_space<vmem>>) target_semaphore(%arg15 : memref<!tpu.dma_semaphore, #tpu.memory_space<semaphore_mem>>)
    %dma_wait3A = arith.constant 0 : i32
    %dma_wait3A_24 = tpu.memref_slice %arg3[%mul3A_2, %dma_wait3A] : memref<8192x1024xf32, #tpu.memory_space<hbm>> -> memref<8x1024xf32, #tpu.memory_space<hbm>>
    %dma_wait3A_25 = arith.constant 0 : i32
    %dma_wait3A_26 = tpu.memref_slice %arg3[%mul3A_2, %dma_wait3A_25] : memref<8192x1024xf32, #tpu.memory_space<hbm>> -> memref<8x1024xf32, #tpu.memory_space<hbm>>
    tpu.wait_dma2 semaphore(%arg11 : memref<!tpu.dma_semaphore, #tpu.memory_space<semaphore_mem>>) src(%dma_wait3A_26 : memref<8x1024xf32, #tpu.memory_space<hbm>>) dst(%arg5 : memref<8x1024xf32, #tpu.memory_space<vmem>>)
    %dma_wait3A_27 = arith.constant 0 : i32
    %dma_wait3A_28 = arith.constant 0 : i32
    %dma_wait3A_29 = tpu.memref_slice %arg2[%dma_wait3A_27, %mul3A_2, %dma_wait3A_28] : memref<4x8192x1024xf32, #tpu.memory_space<hbm>> -> memref<4x8x1024xf32, #tpu.memory_space<hbm>>
    %dma_wait3A_30 = arith.constant 0 : i32
    %dma_wait3A_31 = arith.constant 0 : i32
    %dma_wait3A_32 = tpu.memref_slice %arg2[%dma_wait3A_30, %mul3A_2, %dma_wait3A_31] : memref<4x8192x1024xf32, #tpu.memory_space<hbm>> -> memref<4x8x1024xf32, #tpu.memory_space<hbm>>
    tpu.wait_dma2 semaphore(%arg14 : memref<!tpu.dma_semaphore, #tpu.memory_space<semaphore_mem>>) src(%dma_wait3A_32 : memref<4x8x1024xf32, #tpu.memory_space<hbm>>) dst(%arg8 : memref<4x8x1024xf32, #tpu.memory_space<vmem>>)
    %parallel_loop3A = arith.constant 0 : i32
    %parallel_loop3A_33 = arith.constant 512 : i32
    %parallel_loop3A_34 = arith.constant 1 : i32
    scf.for %parallel_loop3A_203 = %parallel_loop3A to %parallel_loop3A_33 step %parallel_loop3A_34  : i32 {
      %parallel_loop3A_204 = arith.constant 6 : i32
      %parallel_loop3A_205 = arith.shrui %parallel_loop3A_203, %parallel_loop3A_204 : i32
      %parallel_loop3A_206 = arith.constant 63 : i32
      %parallel_loop3A_207 = arith.andi %parallel_loop3A_203, %parallel_loop3A_206 : i32
      %parallel_loop3A_208 = arith.constant 16 : i32
      %parallel_loop3A_209 = arith.muli %parallel_loop3A_207, %parallel_loop3A_208 : i32
      %parallel_loop3A_210 = arith.index_cast %parallel_loop3A_205 : i32 to index
      %parallel_loop3A_211 = arith.index_cast %parallel_loop3A_209 : i32 to index
      %parallel_loop3A_212 = tpu.vector_load %arg5[%parallel_loop3A_210, %parallel_loop3A_211] {strides = array<i32>} : memref<8x1024xf32, #tpu.memory_space<vmem>>, vector<1x16xf32>,
      %parallel_loop3A_213 = vector.shape_cast %parallel_loop3A_212 : vector<1x16xf32> to vector<16xf32>
      %parallel_loop3A_214 = arith.constant 0 : i32
      %parallel_loop3A_215 = arith.index_cast %parallel_loop3A_214 : i32 to index
      %parallel_loop3A_216 = arith.index_cast %parallel_loop3A_205 : i32 to index
      %parallel_loop3A_217 = arith.index_cast %parallel_loop3A_209 : i32 to index
      %parallel_loop3A_218 = tpu.vector_load %arg8[%parallel_loop3A_215, %parallel_loop3A_216, %parallel_loop3A_217] {strides = array<i32>} : memref<4x8x1024xf32, #tpu.memory_space<vmem>>, vector<1x1x16xf32>,
      %parallel_loop3A_219 = vector.shape_cast %parallel_loop3A_218 : vector<1x1x16xf32> to vector<16xf32>
      %parallel_loop3A_220 = vector.shape_cast %parallel_loop3A_213 : vector<16xf32> to vector<1x1x16xf32>
      tpu.vector_store %arg8[%parallel_loop3A_215, %parallel_loop3A_216, %parallel_loop3A_217], %parallel_loop3A_220 {add = true, strides = array<i32>} : memref<4x8x1024xf32, #tpu.memory_space<vmem>>, vector<1x1x16xf32>,
      %parallel_loop3A_221 = arith.constant 1 : i32
      %parallel_loop3A_222 = arith.index_cast %parallel_loop3A_221 : i32 to index
      %parallel_loop3A_223 = arith.index_cast %parallel_loop3A_205 : i32 to index
      %parallel_loop3A_224 = arith.index_cast %parallel_loop3A_209 : i32 to index
      %parallel_loop3A_225 = tpu.vector_load %arg8[%parallel_loop3A_222, %parallel_loop3A_223, %parallel_loop3A_224] {strides = array<i32>} : memref<4x8x1024xf32, #tpu.memory_space<vmem>>, vector<1x1x16xf32>,
      %parallel_loop3A_226 = vector.shape_cast %parallel_loop3A_225 : vector<1x1x16xf32> to vector<16xf32>
      %parallel_loop3A_227 = vector.shape_cast %parallel_loop3A_213 : vector<16xf32> to vector<1x1x16xf32>
      tpu.vector_store %arg8[%parallel_loop3A_222, %parallel_loop3A_223, %parallel_loop3A_224], %parallel_loop3A_227 {add = true, strides = array<i32>} : memref<4x8x1024xf32, #tpu.memory_space<vmem>>, vector<1x1x16xf32>,
      %parallel_loop3A_228 = arith.constant 2 : i32
      %parallel_loop3A_229 = arith.index_cast %parallel_loop3A_228 : i32 to index
      %parallel_loop3A_230 = arith.index_cast %parallel_loop3A_205 : i32 to index
      %parallel_loop3A_231 = arith.index_cast %parallel_loop3A_209 : i32 to index
      %parallel_loop3A_232 = tpu.vector_load %arg8[%parallel_loop3A_229, %parallel_loop3A_230, %parallel_loop3A_231] {strides = array<i32>} : memref<4x8x1024xf32, #tpu.memory_space<vmem>>, vector<1x1x16xf32>,
      %parallel_loop3A_233 = vector.shape_cast %parallel_loop3A_232 : vector<1x1x16xf32> to vector<16xf32>
      %parallel_loop3A_234 = vector.shape_cast %parallel_loop3A_213 : vector<16xf32> to vector<1x1x16xf32>
      tpu.vector_store %arg8[%parallel_loop3A_229, %parallel_loop3A_230, %parallel_loop3A_231], %parallel_loop3A_234 {add = true, strides = array<i32>} : memref<4x8x1024xf32, #tpu.memory_space<vmem>>, vector<1x1x16xf32>,
      %parallel_loop3A_235 = arith.constant 3 : i32
      %parallel_loop3A_236 = arith.index_cast %parallel_loop3A_235 : i32 to index
      %parallel_loop3A_237 = arith.index_cast %parallel_loop3A_205 : i32 to index
      %parallel_loop3A_238 = arith.index_cast %parallel_loop3A_209 : i32 to index
      %parallel_loop3A_239 = tpu.vector_load %arg8[%parallel_loop3A_236, %parallel_loop3A_237, %parallel_loop3A_238] {strides = array<i32>} : memref<4x8x1024xf32, #tpu.memory_space<vmem>>, vector<1x1x16xf32>,
      %parallel_loop3A_240 = vector.shape_cast %parallel_loop3A_239 : vector<1x1x16xf32> to vector<16xf32>
      %parallel_loop3A_241 = vector.shape_cast %parallel_loop3A_213 : vector<16xf32> to vector<1x1x16xf32>
      tpu.vector_store %arg8[%parallel_loop3A_236, %parallel_loop3A_237, %parallel_loop3A_238], %parallel_loop3A_241 {add = true, strides = array<i32>} : memref<4x8x1024xf32, #tpu.memory_space<vmem>>, vector<1x1x16xf32>,
    } {sc.loop_unroll_factor = 4 : i64, sc.parallel_access}
    %dma_start3A_35 = arith.constant 0 : i32
    %dma_start3A_36 = arith.constant 0 : i32
    %dma_start3A_37 = tpu.memref_slice %arg4[%dma_start3A_35, %mul3A_2, %dma_start3A_36] : memref<4x8192x1024xf32, #tpu.memory_space<hbm>> -> memref<4x8x1024xf32, #tpu.memory_space<hbm>>
    %dma_start3A_38 = arith.constant 0 : i32
    %dma_start3A_39 = arith.constant 0 : i32
    %dma_start3A_40 = tpu.memref_slice %arg4[%dma_start3A_38, %mul3A_2, %dma_start3A_39] : memref<4x8192x1024xf32, #tpu.memory_space<hbm>> -> memref<4x8x1024xf32, #tpu.memory_space<hbm>>
    tpu.enqueue_dma source(%arg8 : memref<4x8x1024xf32, #tpu.memory_space<vmem>>) target(%dma_start3A_40 : memref<4x8x1024xf32, #tpu.memory_space<hbm>>) target_semaphore(%arg14 : memref<!tpu.dma_semaphore, #tpu.memory_space<semaphore_mem>>)
    %add3A_41 = arith.constant 16 : i32
    %add3A_42 = arith.addi %mul3A_2, %add3A_41 : i32
    %dma_start3A_43 = arith.constant 0 : i32
    %dma_start3A_44 = tpu.memref_slice %arg3[%add3A_42, %dma_start3A_43] : memref<8192x1024xf32, #tpu.memory_space<hbm>> -> memref<8x1024xf32, #tpu.memory_space<hbm>>
    %dma_start3A_45 = arith.constant 0 : i32
    %dma_start3A_46 = tpu.memref_slice %arg3[%add3A_42, %dma_start3A_45] : memref<8192x1024xf32, #tpu.memory_space<hbm>> -> memref<8x1024xf32, #tpu.memory_space<hbm>>
    tpu.enqueue_dma source(%dma_start3A_46 : memref<8x1024xf32, #tpu.memory_space<hbm>>) target(%arg7 : memref<8x1024xf32, #tpu.memory_space<vmem>>) target_semaphore(%arg13 : memref<!tpu.dma_semaphore, #tpu.memory_space<semaphore_mem>>)
    %dma_start3A_47 = arith.constant 0 : i32
    %dma_start3A_48 = arith.constant 0 : i32
    %dma_start3A_49 = tpu.memref_slice %arg2[%dma_start3A_47, %add3A_42, %dma_start3A_48] : memref<4x8192x1024xf32, #tpu.memory_space<hbm>> -> memref<4x8x1024xf32, #tpu.memory_space<hbm>>
    %dma_start3A_50 = arith.constant 0 : i32
    %dma_start3A_51 = arith.constant 0 : i32
    %dma_start3A_52 = tpu.memref_slice %arg2[%dma_start3A_50, %add3A_42, %dma_start3A_51] : memref<4x8192x1024xf32, #tpu.memory_space<hbm>> -> memref<4x8x1024xf32, #tpu.memory_space<hbm>>
    tpu.enqueue_dma source(%dma_start3A_52 : memref<4x8x1024xf32, #tpu.memory_space<hbm>>) target(%arg10 : memref<4x8x1024xf32, #tpu.memory_space<vmem>>) target_semaphore(%arg16 : memref<!tpu.dma_semaphore, #tpu.memory_space<semaphore_mem>>)
    %add3A_53 = arith.constant 8 : i32
    %add3A_54 = arith.addi %mul3A_2, %add3A_53 : i32
    %dma_wait3A_55 = arith.constant 0 : i32
    %dma_wait3A_56 = tpu.memref_slice %arg3[%add3A_54, %dma_wait3A_55] : memref<8192x1024xf32, #tpu.memory_space<hbm>> -> memref<8x1024xf32, #tpu.memory_space<hbm>>
    %dma_wait3A_57 = arith.constant 0 : i32
    %dma_wait3A_58 = tpu.memref_slice %arg3[%add3A_54, %dma_wait3A_57] : memref<8192x1024xf32, #tpu.memory_space<hbm>> -> memref<8x1024xf32, #tpu.memory_space<hbm>>
    tpu.wait_dma2 semaphore(%arg12 : memref<!tpu.dma_semaphore, #tpu.memory_space<semaphore_mem>>) src(%dma_wait3A_58 : memref<8x1024xf32, #tpu.memory_space<hbm>>) dst(%arg6 : memref<8x1024xf32, #tpu.memory_space<vmem>>)
    %dma_wait3A_59 = arith.constant 0 : i32
    %dma_wait3A_60 = arith.constant 0 : i32
    %dma_wait3A_61 = tpu.memref_slice %arg2[%dma_wait3A_59, %add3A_54, %dma_wait3A_60] : memref<4x8192x1024xf32, #tpu.memory_space<hbm>> -> memref<4x8x1024xf32, #tpu.memory_space<hbm>>
    %dma_wait3A_62 = arith.constant 0 : i32
    %dma_wait3A_63 = arith.constant 0 : i32
    %dma_wait3A_64 = tpu.memref_slice %arg2[%dma_wait3A_62, %add3A_54, %dma_wait3A_63] : memref<4x8192x1024xf32, #tpu.memory_space<hbm>> -> memref<4x8x1024xf32, #tpu.memory_space<hbm>>
    tpu.wait_dma2 semaphore(%arg15 : memref<!tpu.dma_semaphore, #tpu.memory_space<semaphore_mem>>) src(%dma_wait3A_64 : memref<4x8x1024xf32, #tpu.memory_space<hbm>>) dst(%arg9 : memref<4x8x1024xf32, #tpu.memory_space<vmem>>)
    %parallel_loop3A_65 = arith.constant 0 : i32
    %parallel_loop3A_66 = arith.constant 512 : i32
    %parallel_loop3A_67 = arith.constant 1 : i32
    scf.for %parallel_loop3A_203 = %parallel_loop3A_65 to %parallel_loop3A_66 step %parallel_loop3A_67  : i32 {
      %parallel_loop3A_204 = arith.constant 6 : i32
      %parallel_loop3A_205 = arith.shrui %parallel_loop3A_203, %parallel_loop3A_204 : i32
      %parallel_loop3A_206 = arith.constant 63 : i32
      %parallel_loop3A_207 = arith.andi %parallel_loop3A_203, %parallel_loop3A_206 : i32
      %parallel_loop3A_208 = arith.constant 16 : i32
      %parallel_loop3A_209 = arith.muli %parallel_loop3A_207, %parallel_loop3A_208 : i32
      %parallel_loop3A_210 = arith.index_cast %parallel_loop3A_205 : i32 to index
      %parallel_loop3A_211 = arith.index_cast %parallel_loop3A_209 : i32 to index
      %parallel_loop3A_212 = tpu.vector_load %arg6[%parallel_loop3A_210, %parallel_loop3A_211] {strides = array<i32>} : memref<8x1024xf32, #tpu.memory_space<vmem>>, vector<1x16xf32>,
      %parallel_loop3A_213 = vector.shape_cast %parallel_loop3A_212 : vector<1x16xf32> to vector<16xf32>
      %parallel_loop3A_214 = arith.constant 0 : i32
      %parallel_loop3A_215 = arith.index_cast %parallel_loop3A_214 : i32 to index
      %parallel_loop3A_216 = arith.index_cast %parallel_loop3A_205 : i32 to index
      %parallel_loop3A_217 = arith.index_cast %parallel_loop3A_209 : i32 to index
      %parallel_loop3A_218 = tpu.vector_load %arg9[%parallel_loop3A_215, %parallel_loop3A_216, %parallel_loop3A_217] {strides = array<i32>} : memref<4x8x1024xf32, #tpu.memory_space<vmem>>, vector<1x1x16xf32>,
      %parallel_loop3A_219 = vector.shape_cast %parallel_loop3A_218 : vector<1x1x16xf32> to vector<16xf32>
      %parallel_loop3A_220 = vector.shape_cast %parallel_loop3A_213 : vector<16xf32> to vector<1x1x16xf32>
      tpu.vector_store %arg9[%parallel_loop3A_215, %parallel_loop3A_216, %parallel_loop3A_217], %parallel_loop3A_220 {add = true, strides = array<i32>} : memref<4x8x1024xf32, #tpu.memory_space<vmem>>, vector<1x1x16xf32>,
      %parallel_loop3A_221 = arith.constant 1 : i32
      %parallel_loop3A_222 = arith.index_cast %parallel_loop3A_221 : i32 to index
      %parallel_loop3A_223 = arith.index_cast %parallel_loop3A_205 : i32 to index
      %parallel_loop3A_224 = arith.index_cast %parallel_loop3A_209 : i32 to index
      %parallel_loop3A_225 = tpu.vector_load %arg9[%parallel_loop3A_222, %parallel_loop3A_223, %parallel_loop3A_224] {strides = array<i32>} : memref<4x8x1024xf32, #tpu.memory_space<vmem>>, vector<1x1x16xf32>,
      %parallel_loop3A_226 = vector.shape_cast %parallel_loop3A_225 : vector<1x1x16xf32> to vector<16xf32>
      %parallel_loop3A_227 = vector.shape_cast %parallel_loop3A_213 : vector<16xf32> to vector<1x1x16xf32>
      tpu.vector_store %arg9[%parallel_loop3A_222, %parallel_loop3A_223, %parallel_loop3A_224], %parallel_loop3A_227 {add = true, strides = array<i32>} : memref<4x8x1024xf32, #tpu.memory_space<vmem>>, vector<1x1x16xf32>,
      %parallel_loop3A_228 = arith.constant 2 : i32
      %parallel_loop3A_229 = arith.index_cast %parallel_loop3A_228 : i32 to index
      %parallel_loop3A_230 = arith.index_cast %parallel_loop3A_205 : i32 to index
      %parallel_loop3A_231 = arith.index_cast %parallel_loop3A_209 : i32 to index
      %parallel_loop3A_232 = tpu.vector_load %arg9[%parallel_loop3A_229, %parallel_loop3A_230, %parallel_loop3A_231] {strides = array<i32>} : memref<4x8x1024xf32, #tpu.memory_space<vmem>>, vector<1x1x16xf32>,
      %parallel_loop3A_233 = vector.shape_cast %parallel_loop3A_232 : vector<1x1x16xf32> to vector<16xf32>
      %parallel_loop3A_234 = vector.shape_cast %parallel_loop3A_213 : vector<16xf32> to vector<1x1x16xf32>
      tpu.vector_store %arg9[%parallel_loop3A_229, %parallel_loop3A_230, %parallel_loop3A_231], %parallel_loop3A_234 {add = true, strides = array<i32>} : memref<4x8x1024xf32, #tpu.memory_space<vmem>>, vector<1x1x16xf32>,
      %parallel_loop3A_235 = arith.constant 3 : i32
      %parallel_loop3A_236 = arith.index_cast %parallel_loop3A_235 : i32 to index
      %parallel_loop3A_237 = arith.index_cast %parallel_loop3A_205 : i32 to index
      %parallel_loop3A_238 = arith.index_cast %parallel_loop3A_209 : i32 to index
      %parallel_loop3A_239 = tpu.vector_load %arg9[%parallel_loop3A_236, %parallel_loop3A_237, %parallel_loop3A_238] {strides = array<i32>} : memref<4x8x1024xf32, #tpu.memory_space<vmem>>, vector<1x1x16xf32>,
      %parallel_loop3A_240 = vector.shape_cast %parallel_loop3A_239 : vector<1x1x16xf32> to vector<16xf32>
      %parallel_loop3A_241 = vector.shape_cast %parallel_loop3A_213 : vector<16xf32> to vector<1x1x16xf32>
      tpu.vector_store %arg9[%parallel_loop3A_236, %parallel_loop3A_237, %parallel_loop3A_238], %parallel_loop3A_241 {add = true, strides = array<i32>} : memref<4x8x1024xf32, #tpu.memory_space<vmem>>, vector<1x1x16xf32>,
    } {sc.loop_unroll_factor = 4 : i64, sc.parallel_access}
    %dma_start3A_68 = arith.constant 0 : i32
    %dma_start3A_69 = arith.constant 0 : i32
    %dma_start3A_70 = tpu.memref_slice %arg4[%dma_start3A_68, %add3A_54, %dma_start3A_69] : memref<4x8192x1024xf32, #tpu.memory_space<hbm>> -> memref<4x8x1024xf32, #tpu.memory_space<hbm>>
    %dma_start3A_71 = arith.constant 0 : i32
    %dma_start3A_72 = arith.constant 0 : i32
    %dma_start3A_73 = tpu.memref_slice %arg4[%dma_start3A_71, %add3A_54, %dma_start3A_72] : memref<4x8192x1024xf32, #tpu.memory_space<hbm>> -> memref<4x8x1024xf32, #tpu.memory_space<hbm>>
    tpu.enqueue_dma source(%arg9 : memref<4x8x1024xf32, #tpu.memory_space<vmem>>) target(%dma_start3A_73 : memref<4x8x1024xf32, #tpu.memory_space<hbm>>) target_semaphore(%arg15 : memref<!tpu.dma_semaphore, #tpu.memory_space<semaphore_mem>>)
    %scan3A = arith.constant 0 : i32
    %scan3A_74 = arith.constant 0 : i32
    %scan3A_75 = arith.constant 9 : i32
    %scan3A_76 = arith.addi %scan3A_74, %scan3A_75 : i32
    %scan3A_77 = arith.constant 1 : i32
    scf.for %scan3A_203 = %scan3A_74 to %scan3A_76 step %scan3A_77  : i32 {
      %mul3A_204 = arith.constant 3 : i32
      %mul3A_205 = arith.muli %mul3A_204, %scan3A_203 : i32
      %add3A_206 = arith.constant 2 : i32
      %add3A_207 = arith.addi %mul3A_205, %add3A_206 : i32
      %mul3A_208 = arith.constant 8 : i32
      %mul3A_209 = arith.muli %add3A_207, %mul3A_208 : i32
      %add3A_210 = arith.addi %mul3A_2, %mul3A_209 : i32
      %add3A_211 = arith.constant -16 : i32
      %add3A_212 = arith.addi %add3A_210, %add3A_211 : i32
      %dma_wait3A_213 = arith.constant 0 : i32
      %dma_wait3A_214 = arith.constant 0 : i32
      %dma_wait3A_215 = tpu.memref_slice %arg4[%dma_wait3A_213, %add3A_212, %dma_wait3A_214] : memref<4x8192x1024xf32, #tpu.memory_space<hbm>> -> memref<4x8x1024xf32, #tpu.memory_space<hbm>>
      %dma_wait3A_216 = arith.constant 0 : i32
      %dma_wait3A_217 = arith.constant 0 : i32
      %dma_wait3A_218 = tpu.memref_slice %arg4[%dma_wait3A_216, %add3A_212, %dma_wait3A_217] : memref<4x8192x1024xf32, #tpu.memory_space<hbm>> -> memref<4x8x1024xf32, #tpu.memory_space<hbm>>
      tpu.wait_dma2 semaphore(%arg14 : memref<!tpu.dma_semaphore, #tpu.memory_space<semaphore_mem>>) src(%arg8 : memref<4x8x1024xf32, #tpu.memory_space<vmem>>) dst(%dma_wait3A_218 : memref<4x8x1024xf32, #tpu.memory_space<hbm>>)
      %add3A_219 = arith.constant 8 : i32
      %add3A_220 = arith.addi %add3A_210, %add3A_219 : i32
      %dma_start3A_221 = arith.constant 0 : i32
      %dma_start3A_222 = tpu.memref_slice %arg3[%add3A_220, %dma_start3A_221] : memref<8192x1024xf32, #tpu.memory_space<hbm>> -> memref<8x1024xf32, #tpu.memory_space<hbm>>
      %dma_start3A_223 = arith.constant 0 : i32
      %dma_start3A_224 = tpu.memref_slice %arg3[%add3A_220, %dma_start3A_223] : memref<8192x1024xf32, #tpu.memory_space<hbm>> -> memref<8x1024xf32, #tpu.memory_space<hbm>>
      tpu.enqueue_dma source(%dma_start3A_224 : memref<8x1024xf32, #tpu.memory_space<hbm>>) target(%arg5 : memref<8x1024xf32, #tpu.memory_space<vmem>>) target_semaphore(%arg11 : memref<!tpu.dma_semaphore, #tpu.memory_space<semaphore_mem>>)
      %dma_start3A_225 = arith.constant 0 : i32
      %dma_start3A_226 = arith.constant 0 : i32
      %dma_start3A_227 = tpu.memref_slice %arg2[%dma_start3A_225, %add3A_220, %dma_start3A_226] : memref<4x8192x1024xf32, #tpu.memory_space<hbm>> -> memref<4x8x1024xf32, #tpu.memory_space<hbm>>
      %dma_start3A_228 = arith.constant 0 : i32
      %dma_start3A_229 = arith.constant 0 : i32
      %dma_start3A_230 = tpu.memref_slice %arg2[%dma_start3A_228, %add3A_220, %dma_start3A_229] : memref<4x8192x1024xf32, #tpu.memory_space<hbm>> -> memref<4x8x1024xf32, #tpu.memory_space<hbm>>
      tpu.enqueue_dma source(%dma_start3A_230 : memref<4x8x1024xf32, #tpu.memory_space<hbm>>) target(%arg8 : memref<4x8x1024xf32, #tpu.memory_space<vmem>>) target_semaphore(%arg14 : memref<!tpu.dma_semaphore, #tpu.memory_space<semaphore_mem>>)
      %add3A_231 = arith.constant 0 : i32
      %add3A_232 = arith.addi %add3A_210, %add3A_231 : i32
      %dma_wait3A_233 = arith.constant 0 : i32
      %dma_wait3A_234 = tpu.memref_slice %arg3[%add3A_232, %dma_wait3A_233] : memref<8192x1024xf32, #tpu.memory_space<hbm>> -> memref<8x1024xf32, #tpu.memory_space<hbm>>
      %dma_wait3A_235 = arith.constant 0 : i32
      %dma_wait3A_236 = tpu.memref_slice %arg3[%add3A_232, %dma_wait3A_235] : memref<8192x1024xf32, #tpu.memory_space<hbm>> -> memref<8x1024xf32, #tpu.memory_space<hbm>>
      tpu.wait_dma2 semaphore(%arg13 : memref<!tpu.dma_semaphore, #tpu.memory_space<semaphore_mem>>) src(%dma_wait3A_236 : memref<8x1024xf32, #tpu.memory_space<hbm>>) dst(%arg7 : memref<8x1024xf32, #tpu.memory_space<vmem>>)
      %dma_wait3A_237 = arith.constant 0 : i32
      %dma_wait3A_238 = arith.constant 0 : i32
      %dma_wait3A_239 = tpu.memref_slice %arg2[%dma_wait3A_237, %add3A_232, %dma_wait3A_238] : memref<4x8192x1024xf32, #tpu.memory_space<hbm>> -> memref<4x8x1024xf32, #tpu.memory_space<hbm>>
      %dma_wait3A_240 = arith.constant 0 : i32
      %dma_wait3A_241 = arith.constant 0 : i32
      %dma_wait3A_242 = tpu.memref_slice %arg2[%dma_wait3A_240, %add3A_232, %dma_wait3A_241] : memref<4x8192x1024xf32, #tpu.memory_space<hbm>> -> memref<4x8x1024xf32, #tpu.memory_space<hbm>>
      tpu.wait_dma2 semaphore(%arg16 : memref<!tpu.dma_semaphore, #tpu.memory_space<semaphore_mem>>) src(%dma_wait3A_242 : memref<4x8x1024xf32, #tpu.memory_space<hbm>>) dst(%arg10 : memref<4x8x1024xf32, #tpu.memory_space<vmem>>)
      %parallel_loop3A_243 = arith.constant 0 : i32
      %parallel_loop3A_244 = arith.constant 512 : i32
      %parallel_loop3A_245 = arith.constant 1 : i32
      scf.for %parallel_loop3A_334 = %parallel_loop3A_243 to %parallel_loop3A_244 step %parallel_loop3A_245  : i32 {
        %parallel_loop3A_335 = arith.constant 6 : i32
        %parallel_loop3A_336 = arith.shrui %parallel_loop3A_334, %parallel_loop3A_335 : i32
        %parallel_loop3A_337 = arith.constant 63 : i32
        %parallel_loop3A_338 = arith.andi %parallel_loop3A_334, %parallel_loop3A_337 : i32
        %parallel_loop3A_339 = arith.constant 16 : i32
        %parallel_loop3A_340 = arith.muli %parallel_loop3A_338, %parallel_loop3A_339 : i32
        %parallel_loop3A_341 = arith.index_cast %parallel_loop3A_336 : i32 to index
        %parallel_loop3A_342 = arith.index_cast %parallel_loop3A_340 : i32 to index
        %parallel_loop3A_343 = tpu.vector_load %arg7[%parallel_loop3A_341, %parallel_loop3A_342] {strides = array<i32>} : memref<8x1024xf32, #tpu.memory_space<vmem>>, vector<1x16xf32>,
        %parallel_loop3A_344 = vector.shape_cast %parallel_loop3A_343 : vector<1x16xf32> to vector<16xf32>
        %parallel_loop3A_345 = arith.constant 0 : i32
        %parallel_loop3A_346 = arith.index_cast %parallel_loop3A_345 : i32 to index
        %parallel_loop3A_347 = arith.index_cast %parallel_loop3A_336 : i32 to index
        %parallel_loop3A_348 = arith.index_cast %parallel_loop3A_340 : i32 to index
        %parallel_loop3A_349 = tpu.vector_load %arg10[%parallel_loop3A_346, %parallel_loop3A_347, %parallel_loop3A_348] {strides = array<i32>} : memref<4x8x1024xf32, #tpu.memory_space<vmem>>, vector<1x1x16xf32>,
        %parallel_loop3A_350 = vector.shape_cast %parallel_loop3A_349 : vector<1x1x16xf32> to vector<16xf32>
        %parallel_loop3A_351 = vector.shape_cast %parallel_loop3A_344 : vector<16xf32> to vector<1x1x16xf32>
        tpu.vector_store %arg10[%parallel_loop3A_346, %parallel_loop3A_347, %parallel_loop3A_348], %parallel_loop3A_351 {add = true, strides = array<i32>} : memref<4x8x1024xf32, #tpu.memory_space<vmem>>, vector<1x1x16xf32>,
        %parallel_loop3A_352 = arith.constant 1 : i32
        %parallel_loop3A_353 = arith.index_cast %parallel_loop3A_352 : i32 to index
        %parallel_loop3A_354 = arith.index_cast %parallel_loop3A_336 : i32 to index
        %parallel_loop3A_355 = arith.index_cast %parallel_loop3A_340 : i32 to index
        %parallel_loop3A_356 = tpu.vector_load %arg10[%parallel_loop3A_353, %parallel_loop3A_354, %parallel_loop3A_355] {strides = array<i32>} : memref<4x8x1024xf32, #tpu.memory_space<vmem>>, vector<1x1x16xf32>,
        %parallel_loop3A_357 = vector.shape_cast %parallel_loop3A_356 : vector<1x1x16xf32> to vector<16xf32>
        %parallel_loop3A_358 = vector.shape_cast %parallel_loop3A_344 : vector<16xf32> to vector<1x1x16xf32>
        tpu.vector_store %arg10[%parallel_loop3A_353, %parallel_loop3A_354, %parallel_loop3A_355], %parallel_loop3A_358 {add = true, strides = array<i32>} : memref<4x8x1024xf32, #tpu.memory_space<vmem>>, vector<1x1x16xf32>,
        %parallel_loop3A_359 = arith.constant 2 : i32
        %parallel_loop3A_360 = arith.index_cast %parallel_loop3A_359 : i32 to index
        %parallel_loop3A_361 = arith.index_cast %parallel_loop3A_336 : i32 to index
        %parallel_loop3A_362 = arith.index_cast %parallel_loop3A_340 : i32 to index
        %parallel_loop3A_363 = tpu.vector_load %arg10[%parallel_loop3A_360, %parallel_loop3A_361, %parallel_loop3A_362] {strides = array<i32>} : memref<4x8x1024xf32, #tpu.memory_space<vmem>>, vector<1x1x16xf32>,
        %parallel_loop3A_364 = vector.shape_cast %parallel_loop3A_363 : vector<1x1x16xf32> to vector<16xf32>
        %parallel_loop3A_365 = vector.shape_cast %parallel_loop3A_344 : vector<16xf32> to vector<1x1x16xf32>
        tpu.vector_store %arg10[%parallel_loop3A_360, %parallel_loop3A_361, %parallel_loop3A_362], %parallel_loop3A_365 {add = true, strides = array<i32>} : memref<4x8x1024xf32, #tpu.memory_space<vmem>>, vector<1x1x16xf32>,
        %parallel_loop3A_366 = arith.constant 3 : i32
        %parallel_loop3A_367 = arith.index_cast %parallel_loop3A_366 : i32 to index
        %parallel_loop3A_368 = arith.index_cast %parallel_loop3A_336 : i32 to index
        %parallel_loop3A_369 = arith.index_cast %parallel_loop3A_340 : i32 to index
        %parallel_loop3A_370 = tpu.vector_load %arg10[%parallel_loop3A_367, %parallel_loop3A_368, %parallel_loop3A_369] {strides = array<i32>} : memref<4x8x1024xf32, #tpu.memory_space<vmem>>, vector<1x1x16xf32>,
        %parallel_loop3A_371 = vector.shape_cast %parallel_loop3A_370 : vector<1x1x16xf32> to vector<16xf32>
        %parallel_loop3A_372 = vector.shape_cast %parallel_loop3A_344 : vector<16xf32> to vector<1x1x16xf32>
        tpu.vector_store %arg10[%parallel_loop3A_367, %parallel_loop3A_368, %parallel_loop3A_369], %parallel_loop3A_372 {add = true, strides = array<i32>} : memref<4x8x1024xf32, #tpu.memory_space<vmem>>, vector<1x1x16xf32>,
      } {sc.loop_unroll_factor = 4 : i64, sc.parallel_access}
      %dma_start3A_246 = arith.constant 0 : i32
      %dma_start3A_247 = arith.constant 0 : i32
      %dma_start3A_248 = tpu.memref_slice %arg4[%dma_start3A_246, %add3A_232, %dma_start3A_247] : memref<4x8192x1024xf32, #tpu.memory_space<hbm>> -> memref<4x8x1024xf32, #tpu.memory_space<hbm>>
      %dma_start3A_249 = arith.constant 0 : i32
      %dma_start3A_250 = arith.constant 0 : i32
      %dma_start3A_251 = tpu.memref_slice %arg4[%dma_start3A_249, %add3A_232, %dma_start3A_250] : memref<4x8192x1024xf32, #tpu.memory_space<hbm>> -> memref<4x8x1024xf32, #tpu.memory_space<hbm>>
      tpu.enqueue_dma source(%arg10 : memref<4x8x1024xf32, #tpu.memory_space<vmem>>) target(%dma_start3A_251 : memref<4x8x1024xf32, #tpu.memory_space<hbm>>) target_semaphore(%arg16 : memref<!tpu.dma_semaphore, #tpu.memory_space<semaphore_mem>>)
      %add3A_252 = arith.constant -8 : i32
      %add3A_253 = arith.addi %add3A_210, %add3A_252 : i32
      %dma_wait3A_254 = arith.constant 0 : i32
      %dma_wait3A_255 = arith.constant 0 : i32
      %dma_wait3A_256 = tpu.memref_slice %arg4[%dma_wait3A_254, %add3A_253, %dma_wait3A_255] : memref<4x8192x1024xf32, #tpu.memory_space<hbm>> -> memref<4x8x1024xf32, #tpu.memory_space<hbm>>
      %dma_wait3A_257 = arith.constant 0 : i32
      %dma_wait3A_258 = arith.constant 0 : i32
      %dma_wait3A_259 = tpu.memref_slice %arg4[%dma_wait3A_257, %add3A_253, %dma_wait3A_258] : memref<4x8192x1024xf32, #tpu.memory_space<hbm>> -> memref<4x8x1024xf32, #tpu.memory_space<hbm>>
      tpu.wait_dma2 semaphore(%arg15 : memref<!tpu.dma_semaphore, #tpu.memory_space<semaphore_mem>>) src(%arg9 : memref<4x8x1024xf32, #tpu.memory_space<vmem>>) dst(%dma_wait3A_259 : memref<4x8x1024xf32, #tpu.memory_space<hbm>>)
      %add3A_260 = arith.constant 16 : i32
      %add3A_261 = arith.addi %add3A_210, %add3A_260 : i32
      %dma_start3A_262 = arith.constant 0 : i32
      %dma_start3A_263 = tpu.memref_slice %arg3[%add3A_261, %dma_start3A_262] : memref<8192x1024xf32, #tpu.memory_space<hbm>> -> memref<8x1024xf32, #tpu.memory_space<hbm>>
      %dma_start3A_264 = arith.constant 0 : i32
      %dma_start3A_265 = tpu.memref_slice %arg3[%add3A_261, %dma_start3A_264] : memref<8192x1024xf32, #tpu.memory_space<hbm>> -> memref<8x1024xf32, #tpu.memory_space<hbm>>
      tpu.enqueue_dma source(%dma_start3A_265 : memref<8x1024xf32, #tpu.memory_space<hbm>>) target(%arg6 : memref<8x1024xf32, #tpu.memory_space<vmem>>) target_semaphore(%arg12 : memref<!tpu.dma_semaphore, #tpu.memory_space<semaphore_mem>>)
      %dma_start3A_266 = arith.constant 0 : i32
      %dma_start3A_267 = arith.constant 0 : i32
      %dma_start3A_268 = tpu.memref_slice %arg2[%dma_start3A_266, %add3A_261, %dma_start3A_267] : memref<4x8192x1024xf32, #tpu.memory_space<hbm>> -> memref<4x8x1024xf32, #tpu.memory_space<hbm>>
      %dma_start3A_269 = arith.constant 0 : i32
      %dma_start3A_270 = arith.constant 0 : i32
      %dma_start3A_271 = tpu.memref_slice %arg2[%dma_start3A_269, %add3A_261, %dma_start3A_270] : memref<4x8192x1024xf32, #tpu.memory_space<hbm>> -> memref<4x8x1024xf32, #tpu.memory_space<hbm>>
      tpu.enqueue_dma source(%dma_start3A_271 : memref<4x8x1024xf32, #tpu.memory_space<hbm>>) target(%arg9 : memref<4x8x1024xf32, #tpu.memory_space<vmem>>) target_semaphore(%arg15 : memref<!tpu.dma_semaphore, #tpu.memory_space<semaphore_mem>>)
      %add3A_272 = arith.constant 8 : i32
      %add3A_273 = arith.addi %add3A_210, %add3A_272 : i32
      %dma_wait3A_274 = arith.constant 0 : i32
      %dma_wait3A_275 = tpu.memref_slice %arg3[%add3A_273, %dma_wait3A_274] : memref<8192x1024xf32, #tpu.memory_space<hbm>> -> memref<8x1024xf32, #tpu.memory_space<hbm>>
      %dma_wait3A_276 = arith.constant 0 : i32
      %dma_wait3A_277 = tpu.memref_slice %arg3[%add3A_273, %dma_wait3A_276] : memref<8192x1024xf32, #tpu.memory_space<hbm>> -> memref<8x1024xf32, #tpu.memory_space<hbm>>
      tpu.wait_dma2 semaphore(%arg11 : memref<!tpu.dma_semaphore, #tpu.memory_space<semaphore_mem>>) src(%dma_wait3A_277 : memref<8x1024xf32, #tpu.memory_space<hbm>>) dst(%arg5 : memref<8x1024xf32, #tpu.memory_space<vmem>>)
      %dma_wait3A_278 = arith.constant 0 : i32
      %dma_wait3A_279 = arith.constant 0 : i32
      %dma_wait3A_280 = tpu.memref_slice %arg2[%dma_wait3A_278, %add3A_273, %dma_wait3A_279] : memref<4x8192x1024xf32, #tpu.memory_space<hbm>> -> memref<4x8x1024xf32, #tpu.memory_space<hbm>>
      %dma_wait3A_281 = arith.constant 0 : i32
      %dma_wait3A_282 = arith.constant 0 : i32
      %dma_wait3A_283 = tpu.memref_slice %arg2[%dma_wait3A_281, %add3A_273, %dma_wait3A_282] : memref<4x8192x1024xf32, #tpu.memory_space<hbm>> -> memref<4x8x1024xf32, #tpu.memory_space<hbm>>
      tpu.wait_dma2 semaphore(%arg14 : memref<!tpu.dma_semaphore, #tpu.memory_space<semaphore_mem>>) src(%dma_wait3A_283 : memref<4x8x1024xf32, #tpu.memory_space<hbm>>) dst(%arg8 : memref<4x8x1024xf32, #tpu.memory_space<vmem>>)
      %parallel_loop3A_284 = arith.constant 0 : i32
      %parallel_loop3A_285 = arith.constant 512 : i32
      %parallel_loop3A_286 = arith.constant 1 : i32
      scf.for %parallel_loop3A_334 = %parallel_loop3A_284 to %parallel_loop3A_285 step %parallel_loop3A_286  : i32 {
        %parallel_loop3A_335 = arith.constant 6 : i32
        %parallel_loop3A_336 = arith.shrui %parallel_loop3A_334, %parallel_loop3A_335 : i32
        %parallel_loop3A_337 = arith.constant 63 : i32
        %parallel_loop3A_338 = arith.andi %parallel_loop3A_334, %parallel_loop3A_337 : i32
        %parallel_loop3A_339 = arith.constant 16 : i32
        %parallel_loop3A_340 = arith.muli %parallel_loop3A_338, %parallel_loop3A_339 : i32
        %parallel_loop3A_341 = arith.index_cast %parallel_loop3A_336 : i32 to index
        %parallel_loop3A_342 = arith.index_cast %parallel_loop3A_340 : i32 to index
        %parallel_loop3A_343 = tpu.vector_load %arg5[%parallel_loop3A_341, %parallel_loop3A_342] {strides = array<i32>} : memref<8x1024xf32, #tpu.memory_space<vmem>>, vector<1x16xf32>,
        %parallel_loop3A_344 = vector.shape_cast %parallel_loop3A_343 : vector<1x16xf32> to vector<16xf32>
        %parallel_loop3A_345 = arith.constant 0 : i32
        %parallel_loop3A_346 = arith.index_cast %parallel_loop3A_345 : i32 to index
        %parallel_loop3A_347 = arith.index_cast %parallel_loop3A_336 : i32 to index
        %parallel_loop3A_348 = arith.index_cast %parallel_loop3A_340 : i32 to index
        %parallel_loop3A_349 = tpu.vector_load %arg8[%parallel_loop3A_346, %parallel_loop3A_347, %parallel_loop3A_348] {strides = array<i32>} : memref<4x8x1024xf32, #tpu.memory_space<vmem>>, vector<1x1x16xf32>,
        %parallel_loop3A_350 = vector.shape_cast %parallel_loop3A_349 : vector<1x1x16xf32> to vector<16xf32>
        %parallel_loop3A_351 = vector.shape_cast %parallel_loop3A_344 : vector<16xf32> to vector<1x1x16xf32>
        tpu.vector_store %arg8[%parallel_loop3A_346, %parallel_loop3A_347, %parallel_loop3A_348], %parallel_loop3A_351 {add = true, strides = array<i32>} : memref<4x8x1024xf32, #tpu.memory_space<vmem>>, vector<1x1x16xf32>,
        %parallel_loop3A_352 = arith.constant 1 : i32
        %parallel_loop3A_353 = arith.index_cast %parallel_loop3A_352 : i32 to index
        %parallel_loop3A_354 = arith.index_cast %parallel_loop3A_336 : i32 to index
        %parallel_loop3A_355 = arith.index_cast %parallel_loop3A_340 : i32 to index
        %parallel_loop3A_356 = tpu.vector_load %arg8[%parallel_loop3A_353, %parallel_loop3A_354, %parallel_loop3A_355] {strides = array<i32>} : memref<4x8x1024xf32, #tpu.memory_space<vmem>>, vector<1x1x16xf32>,
        %parallel_loop3A_357 = vector.shape_cast %parallel_loop3A_356 : vector<1x1x16xf32> to vector<16xf32>
        %parallel_loop3A_358 = vector.shape_cast %parallel_loop3A_344 : vector<16xf32> to vector<1x1x16xf32>
        tpu.vector_store %arg8[%parallel_loop3A_353, %parallel_loop3A_354, %parallel_loop3A_355], %parallel_loop3A_358 {add = true, strides = array<i32>} : memref<4x8x1024xf32, #tpu.memory_space<vmem>>, vector<1x1x16xf32>,
        %parallel_loop3A_359 = arith.constant 2 : i32
        %parallel_loop3A_360 = arith.index_cast %parallel_loop3A_359 : i32 to index
        %parallel_loop3A_361 = arith.index_cast %parallel_loop3A_336 : i32 to index
        %parallel_loop3A_362 = arith.index_cast %parallel_loop3A_340 : i32 to index
        %parallel_loop3A_363 = tpu.vector_load %arg8[%parallel_loop3A_360, %parallel_loop3A_361, %parallel_loop3A_362] {strides = array<i32>} : memref<4x8x1024xf32, #tpu.memory_space<vmem>>, vector<1x1x16xf32>,
        %parallel_loop3A_364 = vector.shape_cast %parallel_loop3A_363 : vector<1x1x16xf32> to vector<16xf32>
        %parallel_loop3A_365 = vector.shape_cast %parallel_loop3A_344 : vector<16xf32> to vector<1x1x16xf32>
        tpu.vector_store %arg8[%parallel_loop3A_360, %parallel_loop3A_361, %parallel_loop3A_362], %parallel_loop3A_365 {add = true, strides = array<i32>} : memref<4x8x1024xf32, #tpu.memory_space<vmem>>, vector<1x1x16xf32>,
        %parallel_loop3A_366 = arith.constant 3 : i32
        %parallel_loop3A_367 = arith.index_cast %parallel_loop3A_366 : i32 to index
        %parallel_loop3A_368 = arith.index_cast %parallel_loop3A_336 : i32 to index
        %parallel_loop3A_369 = arith.index_cast %parallel_loop3A_340 : i32 to index
        %parallel_loop3A_370 = tpu.vector_load %arg8[%parallel_loop3A_367, %parallel_loop3A_368, %parallel_loop3A_369] {strides = array<i32>} : memref<4x8x1024xf32, #tpu.memory_space<vmem>>, vector<1x1x16xf32>,
        %parallel_loop3A_371 = vector.shape_cast %parallel_loop3A_370 : vector<1x1x16xf32> to vector<16xf32>
        %parallel_loop3A_372 = vector.shape_cast %parallel_loop3A_344 : vector<16xf32> to vector<1x1x16xf32>
        tpu.vector_store %arg8[%parallel_loop3A_367, %parallel_loop3A_368, %parallel_loop3A_369], %parallel_loop3A_372 {add = true, strides = array<i32>} : memref<4x8x1024xf32, #tpu.memory_space<vmem>>, vector<1x1x16xf32>,
      } {sc.loop_unroll_factor = 4 : i64, sc.parallel_access}
      %dma_start3A_287 = arith.constant 0 : i32
      %dma_start3A_288 = arith.constant 0 : i32
      %dma_start3A_289 = tpu.memref_slice %arg4[%dma_start3A_287, %add3A_273, %dma_start3A_288] : memref<4x8192x1024xf32, #tpu.memory_space<hbm>> -> memref<4x8x1024xf32, #tpu.memory_space<hbm>>
      %dma_start3A_290 = arith.constant 0 : i32
      %dma_start3A_291 = arith.constant 0 : i32
      %dma_start3A_292 = tpu.memref_slice %arg4[%dma_start3A_290, %add3A_273, %dma_start3A_291] : memref<4x8192x1024xf32, #tpu.memory_space<hbm>> -> memref<4x8x1024xf32, #tpu.memory_space<hbm>>
      tpu.enqueue_dma source(%arg8 : memref<4x8x1024xf32, #tpu.memory_space<vmem>>) target(%dma_start3A_292 : memref<4x8x1024xf32, #tpu.memory_space<hbm>>) target_semaphore(%arg14 : memref<!tpu.dma_semaphore, #tpu.memory_space<semaphore_mem>>)
      %add3A_293 = arith.constant 0 : i32
      %add3A_294 = arith.addi %add3A_210, %add3A_293 : i32
      %dma_wait3A_295 = arith.constant 0 : i32
      %dma_wait3A_296 = arith.constant 0 : i32
      %dma_wait3A_297 = tpu.memref_slice %arg4[%dma_wait3A_295, %add3A_294, %dma_wait3A_296] : memref<4x8192x1024xf32, #tpu.memory_space<hbm>> -> memref<4x8x1024xf32, #tpu.memory_space<hbm>>
      %dma_wait3A_298 = arith.constant 0 : i32
      %dma_wait3A_299 = arith.constant 0 : i32
      %dma_wait3A_300 = tpu.memref_slice %arg4[%dma_wait3A_298, %add3A_294, %dma_wait3A_299] : memref<4x8192x1024xf32, #tpu.memory_space<hbm>> -> memref<4x8x1024xf32, #tpu.memory_space<hbm>>
      tpu.wait_dma2 semaphore(%arg16 : memref<!tpu.dma_semaphore, #tpu.memory_space<semaphore_mem>>) src(%arg10 : memref<4x8x1024xf32, #tpu.memory_space<vmem>>) dst(%dma_wait3A_300 : memref<4x8x1024xf32, #tpu.memory_space<hbm>>)
      %add3A_301 = arith.constant 24 : i32
      %add3A_302 = arith.addi %add3A_210, %add3A_301 : i32
      %dma_start3A_303 = arith.constant 0 : i32
      %dma_start3A_304 = tpu.memref_slice %arg3[%add3A_302, %dma_start3A_303] : memref<8192x1024xf32, #tpu.memory_space<hbm>> -> memref<8x1024xf32, #tpu.memory_space<hbm>>
      %dma_start3A_305 = arith.constant 0 : i32
      %dma_start3A_306 = tpu.memref_slice %arg3[%add3A_302, %dma_start3A_305] : memref<8192x1024xf32, #tpu.memory_space<hbm>> -> memref<8x1024xf32, #tpu.memory_space<hbm>>
      tpu.enqueue_dma source(%dma_start3A_306 : memref<8x1024xf32, #tpu.memory_space<hbm>>) target(%arg7 : memref<8x1024xf32, #tpu.memory_space<vmem>>) target_semaphore(%arg13 : memref<!tpu.dma_semaphore, #tpu.memory_space<semaphore_mem>>)
      %dma_start3A_307 = arith.constant 0 : i32
      %dma_start3A_308 = arith.constant 0 : i32
      %dma_start3A_309 = tpu.memref_slice %arg2[%dma_start3A_307, %add3A_302, %dma_start3A_308] : memref<4x8192x1024xf32, #tpu.memory_space<hbm>> -> memref<4x8x1024xf32, #tpu.memory_space<hbm>>
      %dma_start3A_310 = arith.constant 0 : i32
      %dma_start3A_311 = arith.constant 0 : i32
      %dma_start3A_312 = tpu.memref_slice %arg2[%dma_start3A_310, %add3A_302, %dma_start3A_311] : memref<4x8192x1024xf32, #tpu.memory_space<hbm>> -> memref<4x8x1024xf32, #tpu.memory_space<hbm>>
      tpu.enqueue_dma source(%dma_start3A_312 : memref<4x8x1024xf32, #tpu.memory_space<hbm>>) target(%arg10 : memref<4x8x1024xf32, #tpu.memory_space<vmem>>) target_semaphore(%arg16 : memref<!tpu.dma_semaphore, #tpu.memory_space<semaphore_mem>>)
      %add3A_313 = arith.constant 16 : i32
      %add3A_314 = arith.addi %add3A_210, %add3A_313 : i32
      %dma_wait3A_315 = arith.constant 0 : i32
      %dma_wait3A_316 = tpu.memref_slice %arg3[%add3A_314, %dma_wait3A_315] : memref<8192x1024xf32, #tpu.memory_space<hbm>> -> memref<8x1024xf32, #tpu.memory_space<hbm>>
      %dma_wait3A_317 = arith.constant 0 : i32
      %dma_wait3A_318 = tpu.memref_slice %arg3[%add3A_314, %dma_wait3A_317] : memref<8192x1024xf32, #tpu.memory_space<hbm>> -> memref<8x1024xf32, #tpu.memory_space<hbm>>
      tpu.wait_dma2 semaphore(%arg12 : memref<!tpu.dma_semaphore, #tpu.memory_space<semaphore_mem>>) src(%dma_wait3A_318 : memref<8x1024xf32, #tpu.memory_space<hbm>>) dst(%arg6 : memref<8x1024xf32, #tpu.memory_space<vmem>>)
      %dma_wait3A_319 = arith.constant 0 : i32
      %dma_wait3A_320 = arith.constant 0 : i32
      %dma_wait3A_321 = tpu.memref_slice %arg2[%dma_wait3A_319, %add3A_314, %dma_wait3A_320] : memref<4x8192x1024xf32, #tpu.memory_space<hbm>> -> memref<4x8x1024xf32, #tpu.memory_space<hbm>>
      %dma_wait3A_322 = arith.constant 0 : i32
      %dma_wait3A_323 = arith.constant 0 : i32
      %dma_wait3A_324 = tpu.memref_slice %arg2[%dma_wait3A_322, %add3A_314, %dma_wait3A_323] : memref<4x8192x1024xf32, #tpu.memory_space<hbm>> -> memref<4x8x1024xf32, #tpu.memory_space<hbm>>
      tpu.wait_dma2 semaphore(%arg15 : memref<!tpu.dma_semaphore, #tpu.memory_space<semaphore_mem>>) src(%dma_wait3A_324 : memref<4x8x1024xf32, #tpu.memory_space<hbm>>) dst(%arg9 : memref<4x8x1024xf32, #tpu.memory_space<vmem>>)
      %parallel_loop3A_325 = arith.constant 0 : i32
      %parallel_loop3A_326 = arith.constant 512 : i32
      %parallel_loop3A_327 = arith.constant 1 : i32
      scf.for %parallel_loop3A_334 = %parallel_loop3A_325 to %parallel_loop3A_326 step %parallel_loop3A_327  : i32 {
        %parallel_loop3A_335 = arith.constant 6 : i32
        %parallel_loop3A_336 = arith.shrui %parallel_loop3A_334, %parallel_loop3A_335 : i32
        %parallel_loop3A_337 = arith.constant 63 : i32
        %parallel_loop3A_338 = arith.andi %parallel_loop3A_334, %parallel_loop3A_337 : i32
        %parallel_loop3A_339 = arith.constant 16 : i32
        %parallel_loop3A_340 = arith.muli %parallel_loop3A_338, %parallel_loop3A_339 : i32
        %parallel_loop3A_341 = arith.index_cast %parallel_loop3A_336 : i32 to index
        %parallel_loop3A_342 = arith.index_cast %parallel_loop3A_340 : i32 to index
        %parallel_loop3A_343 = tpu.vector_load %arg6[%parallel_loop3A_341, %parallel_loop3A_342] {strides = array<i32>} : memref<8x1024xf32, #tpu.memory_space<vmem>>, vector<1x16xf32>,
        %parallel_loop3A_344 = vector.shape_cast %parallel_loop3A_343 : vector<1x16xf32> to vector<16xf32>
        %parallel_loop3A_345 = arith.constant 0 : i32
        %parallel_loop3A_346 = arith.index_cast %parallel_loop3A_345 : i32 to index
        %parallel_loop3A_347 = arith.index_cast %parallel_loop3A_336 : i32 to index
        %parallel_loop3A_348 = arith.index_cast %parallel_loop3A_340 : i32 to index
        %parallel_loop3A_349 = tpu.vector_load %arg9[%parallel_loop3A_346, %parallel_loop3A_347, %parallel_loop3A_348] {strides = array<i32>} : memref<4x8x1024xf32, #tpu.memory_space<vmem>>, vector<1x1x16xf32>,
        %parallel_loop3A_350 = vector.shape_cast %parallel_loop3A_349 : vector<1x1x16xf32> to vector<16xf32>
        %parallel_loop3A_351 = vector.shape_cast %parallel_loop3A_344 : vector<16xf32> to vector<1x1x16xf32>
        tpu.vector_store %arg9[%parallel_loop3A_346, %parallel_loop3A_347, %parallel_loop3A_348], %parallel_loop3A_351 {add = true, strides = array<i32>} : memref<4x8x1024xf32, #tpu.memory_space<vmem>>, vector<1x1x16xf32>,
        %parallel_loop3A_352 = arith.constant 1 : i32
        %parallel_loop3A_353 = arith.index_cast %parallel_loop3A_352 : i32 to index
        %parallel_loop3A_354 = arith.index_cast %parallel_loop3A_336 : i32 to index
        %parallel_loop3A_355 = arith.index_cast %parallel_loop3A_340 : i32 to index
        %parallel_loop3A_356 = tpu.vector_load %arg9[%parallel_loop3A_353, %parallel_loop3A_354, %parallel_loop3A_355] {strides = array<i32>} : memref<4x8x1024xf32, #tpu.memory_space<vmem>>, vector<1x1x16xf32>,
        %parallel_loop3A_357 = vector.shape_cast %parallel_loop3A_356 : vector<1x1x16xf32> to vector<16xf32>
        %parallel_loop3A_358 = vector.shape_cast %parallel_loop3A_344 : vector<16xf32> to vector<1x1x16xf32>
        tpu.vector_store %arg9[%parallel_loop3A_353, %parallel_loop3A_354, %parallel_loop3A_355], %parallel_loop3A_358 {add = true, strides = array<i32>} : memref<4x8x1024xf32, #tpu.memory_space<vmem>>, vector<1x1x16xf32>,
        %parallel_loop3A_359 = arith.constant 2 : i32
        %parallel_loop3A_360 = arith.index_cast %parallel_loop3A_359 : i32 to index
        %parallel_loop3A_361 = arith.index_cast %parallel_loop3A_336 : i32 to index
        %parallel_loop3A_362 = arith.index_cast %parallel_loop3A_340 : i32 to index
        %parallel_loop3A_363 = tpu.vector_load %arg9[%parallel_loop3A_360, %parallel_loop3A_361, %parallel_loop3A_362] {strides = array<i32>} : memref<4x8x1024xf32, #tpu.memory_space<vmem>>, vector<1x1x16xf32>,
        %parallel_loop3A_364 = vector.shape_cast %parallel_loop3A_363 : vector<1x1x16xf32> to vector<16xf32>
        %parallel_loop3A_365 = vector.shape_cast %parallel_loop3A_344 : vector<16xf32> to vector<1x1x16xf32>
        tpu.vector_store %arg9[%parallel_loop3A_360, %parallel_loop3A_361, %parallel_loop3A_362], %parallel_loop3A_365 {add = true, strides = array<i32>} : memref<4x8x1024xf32, #tpu.memory_space<vmem>>, vector<1x1x16xf32>,
        %parallel_loop3A_366 = arith.constant 3 : i32
        %parallel_loop3A_367 = arith.index_cast %parallel_loop3A_366 : i32 to index
        %parallel_loop3A_368 = arith.index_cast %parallel_loop3A_336 : i32 to index
        %parallel_loop3A_369 = arith.index_cast %parallel_loop3A_340 : i32 to index
        %parallel_loop3A_370 = tpu.vector_load %arg9[%parallel_loop3A_367, %parallel_loop3A_368, %parallel_loop3A_369] {strides = array<i32>} : memref<4x8x1024xf32, #tpu.memory_space<vmem>>, vector<1x1x16xf32>,
        %parallel_loop3A_371 = vector.shape_cast %parallel_loop3A_370 : vector<1x1x16xf32> to vector<16xf32>
        %parallel_loop3A_372 = vector.shape_cast %parallel_loop3A_344 : vector<16xf32> to vector<1x1x16xf32>
        tpu.vector_store %arg9[%parallel_loop3A_367, %parallel_loop3A_368, %parallel_loop3A_369], %parallel_loop3A_372 {add = true, strides = array<i32>} : memref<4x8x1024xf32, #tpu.memory_space<vmem>>, vector<1x1x16xf32>,
      } {sc.loop_unroll_factor = 4 : i64, sc.parallel_access}
      %dma_start3A_328 = arith.constant 0 : i32
      %dma_start3A_329 = arith.constant 0 : i32
      %dma_start3A_330 = tpu.memref_slice %arg4[%dma_start3A_328, %add3A_314, %dma_start3A_329] : memref<4x8192x1024xf32, #tpu.memory_space<hbm>> -> memref<4x8x1024xf32, #tpu.memory_space<hbm>>
      %dma_start3A_331 = arith.constant 0 : i32
      %dma_start3A_332 = arith.constant 0 : i32
      %dma_start3A_333 = tpu.memref_slice %arg4[%dma_start3A_331, %add3A_314, %dma_start3A_332] : memref<4x8192x1024xf32, #tpu.memory_space<hbm>> -> memref<4x8x1024xf32, #tpu.memory_space<hbm>>
      tpu.enqueue_dma source(%arg9 : memref<4x8x1024xf32, #tpu.memory_space<vmem>>) target(%dma_start3A_333 : memref<4x8x1024xf32, #tpu.memory_space<hbm>>) target_semaphore(%arg15 : memref<!tpu.dma_semaphore, #tpu.memory_space<semaphore_mem>>)
    }
    %scan3A_78 = arith.constant 9 : i32
    %add3A_79 = arith.constant 232 : i32
    %add3A_80 = arith.addi %mul3A_2, %add3A_79 : i32
    %sub3A = arith.constant 16 : i32
    %sub3A_81 = arith.subi %add3A_80, %sub3A : i32
    %dma_wait3A_82 = arith.constant 0 : i32
    %dma_wait3A_83 = arith.constant 0 : i32
    %dma_wait3A_84 = tpu.memref_slice %arg4[%dma_wait3A_82, %sub3A_81, %dma_wait3A_83] : memref<4x8192x1024xf32, #tpu.memory_space<hbm>> -> memref<4x8x1024xf32, #tpu.memory_space<hbm>>
    %dma_wait3A_85 = arith.constant 0 : i32
    %dma_wait3A_86 = arith.constant 0 : i32
    %dma_wait3A_87 = tpu.memref_slice %arg4[%dma_wait3A_85, %sub3A_81, %dma_wait3A_86] : memref<4x8192x1024xf32, #tpu.memory_space<hbm>> -> memref<4x8x1024xf32, #tpu.memory_space<hbm>>
    tpu.wait_dma2 semaphore(%arg14 : memref<!tpu.dma_semaphore, #tpu.memory_space<semaphore_mem>>) src(%arg8 : memref<4x8x1024xf32, #tpu.memory_space<vmem>>) dst(%dma_wait3A_87 : memref<4x8x1024xf32, #tpu.memory_space<hbm>>)
    %add3A_88 = arith.constant 8 : i32
    %add3A_89 = arith.addi %add3A_80, %add3A_88 : i32
    %dma_start3A_90 = arith.constant 0 : i32
    %dma_start3A_91 = tpu.memref_slice %arg3[%add3A_89, %dma_start3A_90] : memref<8192x1024xf32, #tpu.memory_space<hbm>> -> memref<8x1024xf32, #tpu.memory_space<hbm>>
    %dma_start3A_92 = arith.constant 0 : i32
    %dma_start3A_93 = tpu.memref_slice %arg3[%add3A_89, %dma_start3A_92] : memref<8192x1024xf32, #tpu.memory_space<hbm>> -> memref<8x1024xf32, #tpu.memory_space<hbm>>
    tpu.enqueue_dma source(%dma_start3A_93 : memref<8x1024xf32, #tpu.memory_space<hbm>>) target(%arg5 : memref<8x1024xf32, #tpu.memory_space<vmem>>) target_semaphore(%arg11 : memref<!tpu.dma_semaphore, #tpu.memory_space<semaphore_mem>>)
    %dma_start3A_94 = arith.constant 0 : i32
    %dma_start3A_95 = arith.constant 0 : i32
    %dma_start3A_96 = tpu.memref_slice %arg2[%dma_start3A_94, %add3A_89, %dma_start3A_95] : memref<4x8192x1024xf32, #tpu.memory_space<hbm>> -> memref<4x8x1024xf32, #tpu.memory_space<hbm>>
    %dma_start3A_97 = arith.constant 0 : i32
    %dma_start3A_98 = arith.constant 0 : i32
    %dma_start3A_99 = tpu.memref_slice %arg2[%dma_start3A_97, %add3A_89, %dma_start3A_98] : memref<4x8192x1024xf32, #tpu.memory_space<hbm>> -> memref<4x8x1024xf32, #tpu.memory_space<hbm>>
    tpu.enqueue_dma source(%dma_start3A_99 : memref<4x8x1024xf32, #tpu.memory_space<hbm>>) target(%arg8 : memref<4x8x1024xf32, #tpu.memory_space<vmem>>) target_semaphore(%arg14 : memref<!tpu.dma_semaphore, #tpu.memory_space<semaphore_mem>>)
    %dma_wait3A_100 = arith.constant 0 : i32
    %dma_wait3A_101 = tpu.memref_slice %arg3[%add3A_80, %dma_wait3A_100] : memref<8192x1024xf32, #tpu.memory_space<hbm>> -> memref<8x1024xf32, #tpu.memory_space<hbm>>
    %dma_wait3A_102 = arith.constant 0 : i32
    %dma_wait3A_103 = tpu.memref_slice %arg3[%add3A_80, %dma_wait3A_102] : memref<8192x1024xf32, #tpu.memory_space<hbm>> -> memref<8x1024xf32, #tpu.memory_space<hbm>>
    tpu.wait_dma2 semaphore(%arg13 : memref<!tpu.dma_semaphore, #tpu.memory_space<semaphore_mem>>) src(%dma_wait3A_103 : memref<8x1024xf32, #tpu.memory_space<hbm>>) dst(%arg7 : memref<8x1024xf32, #tpu.memory_space<vmem>>)
    %dma_wait3A_104 = arith.constant 0 : i32
    %dma_wait3A_105 = arith.constant 0 : i32
    %dma_wait3A_106 = tpu.memref_slice %arg2[%dma_wait3A_104, %add3A_80, %dma_wait3A_105] : memref<4x8192x1024xf32, #tpu.memory_space<hbm>> -> memref<4x8x1024xf32, #tpu.memory_space<hbm>>
    %dma_wait3A_107 = arith.constant 0 : i32
    %dma_wait3A_108 = arith.constant 0 : i32
    %dma_wait3A_109 = tpu.memref_slice %arg2[%dma_wait3A_107, %add3A_80, %dma_wait3A_108] : memref<4x8192x1024xf32, #tpu.memory_space<hbm>> -> memref<4x8x1024xf32, #tpu.memory_space<hbm>>
    tpu.wait_dma2 semaphore(%arg16 : memref<!tpu.dma_semaphore, #tpu.memory_space<semaphore_mem>>) src(%dma_wait3A_109 : memref<4x8x1024xf32, #tpu.memory_space<hbm>>) dst(%arg10 : memref<4x8x1024xf32, #tpu.memory_space<vmem>>)
    %parallel_loop3A_110 = arith.constant 0 : i32
    %parallel_loop3A_111 = arith.constant 512 : i32
    %parallel_loop3A_112 = arith.constant 1 : i32
    scf.for %parallel_loop3A_203 = %parallel_loop3A_110 to %parallel_loop3A_111 step %parallel_loop3A_112  : i32 {
      %parallel_loop3A_204 = arith.constant 6 : i32
      %parallel_loop3A_205 = arith.shrui %parallel_loop3A_203, %parallel_loop3A_204 : i32
      %parallel_loop3A_206 = arith.constant 63 : i32
      %parallel_loop3A_207 = arith.andi %parallel_loop3A_203, %parallel_loop3A_206 : i32
      %parallel_loop3A_208 = arith.constant 16 : i32
      %parallel_loop3A_209 = arith.muli %parallel_loop3A_207, %parallel_loop3A_208 : i32
      %parallel_loop3A_210 = arith.index_cast %parallel_loop3A_205 : i32 to index
      %parallel_loop3A_211 = arith.index_cast %parallel_loop3A_209 : i32 to index
      %parallel_loop3A_212 = tpu.vector_load %arg7[%parallel_loop3A_210, %parallel_loop3A_211] {strides = array<i32>} : memref<8x1024xf32, #tpu.memory_space<vmem>>, vector<1x16xf32>,
      %parallel_loop3A_213 = vector.shape_cast %parallel_loop3A_212 : vector<1x16xf32> to vector<16xf32>
      %parallel_loop3A_214 = arith.constant 0 : i32
      %parallel_loop3A_215 = arith.index_cast %parallel_loop3A_214 : i32 to index
      %parallel_loop3A_216 = arith.index_cast %parallel_loop3A_205 : i32 to index
      %parallel_loop3A_217 = arith.index_cast %parallel_loop3A_209 : i32 to index
      %parallel_loop3A_218 = tpu.vector_load %arg10[%parallel_loop3A_215, %parallel_loop3A_216, %parallel_loop3A_217] {strides = array<i32>} : memref<4x8x1024xf32, #tpu.memory_space<vmem>>, vector<1x1x16xf32>,
      %parallel_loop3A_219 = vector.shape_cast %parallel_loop3A_218 : vector<1x1x16xf32> to vector<16xf32>
      %parallel_loop3A_220 = vector.shape_cast %parallel_loop3A_213 : vector<16xf32> to vector<1x1x16xf32>
      tpu.vector_store %arg10[%parallel_loop3A_215, %parallel_loop3A_216, %parallel_loop3A_217], %parallel_loop3A_220 {add = true, strides = array<i32>} : memref<4x8x1024xf32, #tpu.memory_space<vmem>>, vector<1x1x16xf32>,
      %parallel_loop3A_221 = arith.constant 1 : i32
      %parallel_loop3A_222 = arith.index_cast %parallel_loop3A_221 : i32 to index
      %parallel_loop3A_223 = arith.index_cast %parallel_loop3A_205 : i32 to index
      %parallel_loop3A_224 = arith.index_cast %parallel_loop3A_209 : i32 to index
      %parallel_loop3A_225 = tpu.vector_load %arg10[%parallel_loop3A_222, %parallel_loop3A_223, %parallel_loop3A_224] {strides = array<i32>} : memref<4x8x1024xf32, #tpu.memory_space<vmem>>, vector<1x1x16xf32>,
      %parallel_loop3A_226 = vector.shape_cast %parallel_loop3A_225 : vector<1x1x16xf32> to vector<16xf32>
      %parallel_loop3A_227 = vector.shape_cast %parallel_loop3A_213 : vector<16xf32> to vector<1x1x16xf32>
      tpu.vector_store %arg10[%parallel_loop3A_222, %parallel_loop3A_223, %parallel_loop3A_224], %parallel_loop3A_227 {add = true, strides = array<i32>} : memref<4x8x1024xf32, #tpu.memory_space<vmem>>, vector<1x1x16xf32>,
      %parallel_loop3A_228 = arith.constant 2 : i32
      %parallel_loop3A_229 = arith.index_cast %parallel_loop3A_228 : i32 to index
      %parallel_loop3A_230 = arith.index_cast %parallel_loop3A_205 : i32 to index
      %parallel_loop3A_231 = arith.index_cast %parallel_loop3A_209 : i32 to index
      %parallel_loop3A_232 = tpu.vector_load %arg10[%parallel_loop3A_229, %parallel_loop3A_230, %parallel_loop3A_231] {strides = array<i32>} : memref<4x8x1024xf32, #tpu.memory_space<vmem>>, vector<1x1x16xf32>,
      %parallel_loop3A_233 = vector.shape_cast %parallel_loop3A_232 : vector<1x1x16xf32> to vector<16xf32>
      %parallel_loop3A_234 = vector.shape_cast %parallel_loop3A_213 : vector<16xf32> to vector<1x1x16xf32>
      tpu.vector_store %arg10[%parallel_loop3A_229, %parallel_loop3A_230, %parallel_loop3A_231], %parallel_loop3A_234 {add = true, strides = array<i32>} : memref<4x8x1024xf32, #tpu.memory_space<vmem>>, vector<1x1x16xf32>,
      %parallel_loop3A_235 = arith.constant 3 : i32
      %parallel_loop3A_236 = arith.index_cast %parallel_loop3A_235 : i32 to index
      %parallel_loop3A_237 = arith.index_cast %parallel_loop3A_205 : i32 to index
      %parallel_loop3A_238 = arith.index_cast %parallel_loop3A_209 : i32 to index
      %parallel_loop3A_239 = tpu.vector_load %arg10[%parallel_loop3A_236, %parallel_loop3A_237, %parallel_loop3A_238] {strides = array<i32>} : memref<4x8x1024xf32, #tpu.memory_space<vmem>>, vector<1x1x16xf32>,
      %parallel_loop3A_240 = vector.shape_cast %parallel_loop3A_239 : vector<1x1x16xf32> to vector<16xf32>
      %parallel_loop3A_241 = vector.shape_cast %parallel_loop3A_213 : vector<16xf32> to vector<1x1x16xf32>
      tpu.vector_store %arg10[%parallel_loop3A_236, %parallel_loop3A_237, %parallel_loop3A_238], %parallel_loop3A_241 {add = true, strides = array<i32>} : memref<4x8x1024xf32, #tpu.memory_space<vmem>>, vector<1x1x16xf32>,
    } {sc.loop_unroll_factor = 4 : i64, sc.parallel_access}
    %dma_start3A_113 = arith.constant 0 : i32
    %dma_start3A_114 = arith.constant 0 : i32
    %dma_start3A_115 = tpu.memref_slice %arg4[%dma_start3A_113, %add3A_80, %dma_start3A_114] : memref<4x8192x1024xf32, #tpu.memory_space<hbm>> -> memref<4x8x1024xf32, #tpu.memory_space<hbm>>
    %dma_start3A_116 = arith.constant 0 : i32
    %dma_start3A_117 = arith.constant 0 : i32
    %dma_start3A_118 = tpu.memref_slice %arg4[%dma_start3A_116, %add3A_80, %dma_start3A_117] : memref<4x8192x1024xf32, #tpu.memory_space<hbm>> -> memref<4x8x1024xf32, #tpu.memory_space<hbm>>
    tpu.enqueue_dma source(%arg10 : memref<4x8x1024xf32, #tpu.memory_space<vmem>>) target(%dma_start3A_118 : memref<4x8x1024xf32, #tpu.memory_space<hbm>>) target_semaphore(%arg16 : memref<!tpu.dma_semaphore, #tpu.memory_space<semaphore_mem>>)
    %sub3A_119 = arith.constant 8 : i32
    %sub3A_120 = arith.subi %add3A_80, %sub3A_119 : i32
    %dma_wait3A_121 = arith.constant 0 : i32
    %dma_wait3A_122 = arith.constant 0 : i32
    %dma_wait3A_123 = tpu.memref_slice %arg4[%dma_wait3A_121, %sub3A_120, %dma_wait3A_122] : memref<4x8192x1024xf32, #tpu.memory_space<hbm>> -> memref<4x8x1024xf32, #tpu.memory_space<hbm>>
    %dma_wait3A_124 = arith.constant 0 : i32
    %dma_wait3A_125 = arith.constant 0 : i32
    %dma_wait3A_126 = tpu.memref_slice %arg4[%dma_wait3A_124, %sub3A_120, %dma_wait3A_125] : memref<4x8192x1024xf32, #tpu.memory_space<hbm>> -> memref<4x8x1024xf32, #tpu.memory_space<hbm>>
    tpu.wait_dma2 semaphore(%arg15 : memref<!tpu.dma_semaphore, #tpu.memory_space<semaphore_mem>>) src(%arg9 : memref<4x8x1024xf32, #tpu.memory_space<vmem>>) dst(%dma_wait3A_126 : memref<4x8x1024xf32, #tpu.memory_space<hbm>>)
    %add3A_127 = arith.constant 16 : i32
    %add3A_128 = arith.addi %add3A_80, %add3A_127 : i32
    %dma_start3A_129 = arith.constant 0 : i32
    %dma_start3A_130 = tpu.memref_slice %arg3[%add3A_128, %dma_start3A_129] : memref<8192x1024xf32, #tpu.memory_space<hbm>> -> memref<8x1024xf32, #tpu.memory_space<hbm>>
    %dma_start3A_131 = arith.constant 0 : i32
    %dma_start3A_132 = tpu.memref_slice %arg3[%add3A_128, %dma_start3A_131] : memref<8192x1024xf32, #tpu.memory_space<hbm>> -> memref<8x1024xf32, #tpu.memory_space<hbm>>
    tpu.enqueue_dma source(%dma_start3A_132 : memref<8x1024xf32, #tpu.memory_space<hbm>>) target(%arg6 : memref<8x1024xf32, #tpu.memory_space<vmem>>) target_semaphore(%arg12 : memref<!tpu.dma_semaphore, #tpu.memory_space<semaphore_mem>>)
    %dma_start3A_133 = arith.constant 0 : i32
    %dma_start3A_134 = arith.constant 0 : i32
    %dma_start3A_135 = tpu.memref_slice %arg2[%dma_start3A_133, %add3A_128, %dma_start3A_134] : memref<4x8192x1024xf32, #tpu.memory_space<hbm>> -> memref<4x8x1024xf32, #tpu.memory_space<hbm>>
    %dma_start3A_136 = arith.constant 0 : i32
    %dma_start3A_137 = arith.constant 0 : i32
    %dma_start3A_138 = tpu.memref_slice %arg2[%dma_start3A_136, %add3A_128, %dma_start3A_137] : memref<4x8192x1024xf32, #tpu.memory_space<hbm>> -> memref<4x8x1024xf32, #tpu.memory_space<hbm>>
    tpu.enqueue_dma source(%dma_start3A_138 : memref<4x8x1024xf32, #tpu.memory_space<hbm>>) target(%arg9 : memref<4x8x1024xf32, #tpu.memory_space<vmem>>) target_semaphore(%arg15 : memref<!tpu.dma_semaphore, #tpu.memory_space<semaphore_mem>>)
    %add3A_139 = arith.constant 8 : i32
    %add3A_140 = arith.addi %add3A_80, %add3A_139 : i32
    %dma_wait3A_141 = arith.constant 0 : i32
    %dma_wait3A_142 = tpu.memref_slice %arg3[%add3A_140, %dma_wait3A_141] : memref<8192x1024xf32, #tpu.memory_space<hbm>> -> memref<8x1024xf32, #tpu.memory_space<hbm>>
    %dma_wait3A_143 = arith.constant 0 : i32
    %dma_wait3A_144 = tpu.memref_slice %arg3[%add3A_140, %dma_wait3A_143] : memref<8192x1024xf32, #tpu.memory_space<hbm>> -> memref<8x1024xf32, #tpu.memory_space<hbm>>
    tpu.wait_dma2 semaphore(%arg11 : memref<!tpu.dma_semaphore, #tpu.memory_space<semaphore_mem>>) src(%dma_wait3A_144 : memref<8x1024xf32, #tpu.memory_space<hbm>>) dst(%arg5 : memref<8x1024xf32, #tpu.memory_space<vmem>>)
    %dma_wait3A_145 = arith.constant 0 : i32
    %dma_wait3A_146 = arith.constant 0 : i32
    %dma_wait3A_147 = tpu.memref_slice %arg2[%dma_wait3A_145, %add3A_140, %dma_wait3A_146] : memref<4x8192x1024xf32, #tpu.memory_space<hbm>> -> memref<4x8x1024xf32, #tpu.memory_space<hbm>>
    %dma_wait3A_148 = arith.constant 0 : i32
    %dma_wait3A_149 = arith.constant 0 : i32
    %dma_wait3A_150 = tpu.memref_slice %arg2[%dma_wait3A_148, %add3A_140, %dma_wait3A_149] : memref<4x8192x1024xf32, #tpu.memory_space<hbm>> -> memref<4x8x1024xf32, #tpu.memory_space<hbm>>
    tpu.wait_dma2 semaphore(%arg14 : memref<!tpu.dma_semaphore, #tpu.memory_space<semaphore_mem>>) src(%dma_wait3A_150 : memref<4x8x1024xf32, #tpu.memory_space<hbm>>) dst(%arg8 : memref<4x8x1024xf32, #tpu.memory_space<vmem>>)
    %parallel_loop3A_151 = arith.constant 0 : i32
    %parallel_loop3A_152 = arith.constant 512 : i32
    %parallel_loop3A_153 = arith.constant 1 : i32
    scf.for %parallel_loop3A_203 = %parallel_loop3A_151 to %parallel_loop3A_152 step %parallel_loop3A_153  : i32 {
      %parallel_loop3A_204 = arith.constant 6 : i32
      %parallel_loop3A_205 = arith.shrui %parallel_loop3A_203, %parallel_loop3A_204 : i32
      %parallel_loop3A_206 = arith.constant 63 : i32
      %parallel_loop3A_207 = arith.andi %parallel_loop3A_203, %parallel_loop3A_206 : i32
      %parallel_loop3A_208 = arith.constant 16 : i32
      %parallel_loop3A_209 = arith.muli %parallel_loop3A_207, %parallel_loop3A_208 : i32
      %parallel_loop3A_210 = arith.index_cast %parallel_loop3A_205 : i32 to index
      %parallel_loop3A_211 = arith.index_cast %parallel_loop3A_209 : i32 to index
      %parallel_loop3A_212 = tpu.vector_load %arg5[%parallel_loop3A_210, %parallel_loop3A_211] {strides = array<i32>} : memref<8x1024xf32, #tpu.memory_space<vmem>>, vector<1x16xf32>,
      %parallel_loop3A_213 = vector.shape_cast %parallel_loop3A_212 : vector<1x16xf32> to vector<16xf32>
      %parallel_loop3A_214 = arith.constant 0 : i32
      %parallel_loop3A_215 = arith.index_cast %parallel_loop3A_214 : i32 to index
      %parallel_loop3A_216 = arith.index_cast %parallel_loop3A_205 : i32 to index
      %parallel_loop3A_217 = arith.index_cast %parallel_loop3A_209 : i32 to index
      %parallel_loop3A_218 = tpu.vector_load %arg8[%parallel_loop3A_215, %parallel_loop3A_216, %parallel_loop3A_217] {strides = array<i32>} : memref<4x8x1024xf32, #tpu.memory_space<vmem>>, vector<1x1x16xf32>,
      %parallel_loop3A_219 = vector.shape_cast %parallel_loop3A_218 : vector<1x1x16xf32> to vector<16xf32>
      %parallel_loop3A_220 = vector.shape_cast %parallel_loop3A_213 : vector<16xf32> to vector<1x1x16xf32>
      tpu.vector_store %arg8[%parallel_loop3A_215, %parallel_loop3A_216, %parallel_loop3A_217], %parallel_loop3A_220 {add = true, strides = array<i32>} : memref<4x8x1024xf32, #tpu.memory_space<vmem>>, vector<1x1x16xf32>,
      %parallel_loop3A_221 = arith.constant 1 : i32
      %parallel_loop3A_222 = arith.index_cast %parallel_loop3A_221 : i32 to index
      %parallel_loop3A_223 = arith.index_cast %parallel_loop3A_205 : i32 to index
      %parallel_loop3A_224 = arith.index_cast %parallel_loop3A_209 : i32 to index
      %parallel_loop3A_225 = tpu.vector_load %arg8[%parallel_loop3A_222, %parallel_loop3A_223, %parallel_loop3A_224] {strides = array<i32>} : memref<4x8x1024xf32, #tpu.memory_space<vmem>>, vector<1x1x16xf32>,
      %parallel_loop3A_226 = vector.shape_cast %parallel_loop3A_225 : vector<1x1x16xf32> to vector<16xf32>
      %parallel_loop3A_227 = vector.shape_cast %parallel_loop3A_213 : vector<16xf32> to vector<1x1x16xf32>
      tpu.vector_store %arg8[%parallel_loop3A_222, %parallel_loop3A_223, %parallel_loop3A_224], %parallel_loop3A_227 {add = true, strides = array<i32>} : memref<4x8x1024xf32, #tpu.memory_space<vmem>>, vector<1x1x16xf32>,
      %parallel_loop3A_228 = arith.constant 2 : i32
      %parallel_loop3A_229 = arith.index_cast %parallel_loop3A_228 : i32 to index
      %parallel_loop3A_230 = arith.index_cast %parallel_loop3A_205 : i32 to index
      %parallel_loop3A_231 = arith.index_cast %parallel_loop3A_209 : i32 to index
      %parallel_loop3A_232 = tpu.vector_load %arg8[%parallel_loop3A_229, %parallel_loop3A_230, %parallel_loop3A_231] {strides = array<i32>} : memref<4x8x1024xf32, #tpu.memory_space<vmem>>, vector<1x1x16xf32>,
      %parallel_loop3A_233 = vector.shape_cast %parallel_loop3A_232 : vector<1x1x16xf32> to vector<16xf32>
      %parallel_loop3A_234 = vector.shape_cast %parallel_loop3A_213 : vector<16xf32> to vector<1x1x16xf32>
      tpu.vector_store %arg8[%parallel_loop3A_229, %parallel_loop3A_230, %parallel_loop3A_231], %parallel_loop3A_234 {add = true, strides = array<i32>} : memref<4x8x1024xf32, #tpu.memory_space<vmem>>, vector<1x1x16xf32>,
      %parallel_loop3A_235 = arith.constant 3 : i32
      %parallel_loop3A_236 = arith.index_cast %parallel_loop3A_235 : i32 to index
      %parallel_loop3A_237 = arith.index_cast %parallel_loop3A_205 : i32 to index
      %parallel_loop3A_238 = arith.index_cast %parallel_loop3A_209 : i32 to index
      %parallel_loop3A_239 = tpu.vector_load %arg8[%parallel_loop3A_236, %parallel_loop3A_237, %parallel_loop3A_238] {strides = array<i32>} : memref<4x8x1024xf32, #tpu.memory_space<vmem>>, vector<1x1x16xf32>,
      %parallel_loop3A_240 = vector.shape_cast %parallel_loop3A_239 : vector<1x1x16xf32> to vector<16xf32>
      %parallel_loop3A_241 = vector.shape_cast %parallel_loop3A_213 : vector<16xf32> to vector<1x1x16xf32>
      tpu.vector_store %arg8[%parallel_loop3A_236, %parallel_loop3A_237, %parallel_loop3A_238], %parallel_loop3A_241 {add = true, strides = array<i32>} : memref<4x8x1024xf32, #tpu.memory_space<vmem>>, vector<1x1x16xf32>,
    } {sc.loop_unroll_factor = 4 : i64, sc.parallel_access}
    %dma_start3A_154 = arith.constant 0 : i32
    %dma_start3A_155 = arith.constant 0 : i32
    %dma_start3A_156 = tpu.memref_slice %arg4[%dma_start3A_154, %add3A_140, %dma_start3A_155] : memref<4x8192x1024xf32, #tpu.memory_space<hbm>> -> memref<4x8x1024xf32, #tpu.memory_space<hbm>>
    %dma_start3A_157 = arith.constant 0 : i32
    %dma_start3A_158 = arith.constant 0 : i32
    %dma_start3A_159 = tpu.memref_slice %arg4[%dma_start3A_157, %add3A_140, %dma_start3A_158] : memref<4x8192x1024xf32, #tpu.memory_space<hbm>> -> memref<4x8x1024xf32, #tpu.memory_space<hbm>>
    tpu.enqueue_dma source(%arg8 : memref<4x8x1024xf32, #tpu.memory_space<vmem>>) target(%dma_start3A_159 : memref<4x8x1024xf32, #tpu.memory_space<hbm>>) target_semaphore(%arg14 : memref<!tpu.dma_semaphore, #tpu.memory_space<semaphore_mem>>)
    %dma_wait3A_160 = arith.constant 0 : i32
    %dma_wait3A_161 = arith.constant 0 : i32
    %dma_wait3A_162 = tpu.memref_slice %arg4[%dma_wait3A_160, %add3A_80, %dma_wait3A_161] : memref<4x8192x1024xf32, #tpu.memory_space<hbm>> -> memref<4x8x1024xf32, #tpu.memory_space<hbm>>
    %dma_wait3A_163 = arith.constant 0 : i32
    %dma_wait3A_164 = arith.constant 0 : i32
    %dma_wait3A_165 = tpu.memref_slice %arg4[%dma_wait3A_163, %add3A_80, %dma_wait3A_164] : memref<4x8192x1024xf32, #tpu.memory_space<hbm>> -> memref<4x8x1024xf32, #tpu.memory_space<hbm>>
    tpu.wait_dma2 semaphore(%arg16 : memref<!tpu.dma_semaphore, #tpu.memory_space<semaphore_mem>>) src(%arg10 : memref<4x8x1024xf32, #tpu.memory_space<vmem>>) dst(%dma_wait3A_165 : memref<4x8x1024xf32, #tpu.memory_space<hbm>>)
    %add3A_166 = arith.constant 16 : i32
    %add3A_167 = arith.addi %add3A_80, %add3A_166 : i32
    %dma_wait3A_168 = arith.constant 0 : i32
    %dma_wait3A_169 = tpu.memref_slice %arg3[%add3A_167, %dma_wait3A_168] : memref<8192x1024xf32, #tpu.memory_space<hbm>> -> memref<8x1024xf32, #tpu.memory_space<hbm>>
    %dma_wait3A_170 = arith.constant 0 : i32
    %dma_wait3A_171 = tpu.memref_slice %arg3[%add3A_167, %dma_wait3A_170] : memref<8192x1024xf32, #tpu.memory_space<hbm>> -> memref<8x1024xf32, #tpu.memory_space<hbm>>
    tpu.wait_dma2 semaphore(%arg12 : memref<!tpu.dma_semaphore, #tpu.memory_space<semaphore_mem>>) src(%dma_wait3A_171 : memref<8x1024xf32, #tpu.memory_space<hbm>>) dst(%arg6 : memref<8x1024xf32, #tpu.memory_space<vmem>>)
    %dma_wait3A_172 = arith.constant 0 : i32
    %dma_wait3A_173 = arith.constant 0 : i32
    %dma_wait3A_174 = tpu.memref_slice %arg2[%dma_wait3A_172, %add3A_167, %dma_wait3A_173] : memref<4x8192x1024xf32, #tpu.memory_space<hbm>> -> memref<4x8x1024xf32, #tpu.memory_space<hbm>>
    %dma_wait3A_175 = arith.constant 0 : i32
    %dma_wait3A_176 = arith.constant 0 : i32
    %dma_wait3A_177 = tpu.memref_slice %arg2[%dma_wait3A_175, %add3A_167, %dma_wait3A_176] : memref<4x8192x1024xf32, #tpu.memory_space<hbm>> -> memref<4x8x1024xf32, #tpu.memory_space<hbm>>
    tpu.wait_dma2 semaphore(%arg15 : memref<!tpu.dma_semaphore, #tpu.memory_space<semaphore_mem>>) src(%dma_wait3A_177 : memref<4x8x1024xf32, #tpu.memory_space<hbm>>) dst(%arg9 : memref<4x8x1024xf32, #tpu.memory_space<vmem>>)
    %parallel_loop3A_178 = arith.constant 0 : i32
    %parallel_loop3A_179 = arith.constant 512 : i32
    %parallel_loop3A_180 = arith.constant 1 : i32
    scf.for %parallel_loop3A_203 = %parallel_loop3A_178 to %parallel_loop3A_179 step %parallel_loop3A_180  : i32 {
      %parallel_loop3A_204 = arith.constant 6 : i32
      %parallel_loop3A_205 = arith.shrui %parallel_loop3A_203, %parallel_loop3A_204 : i32
      %parallel_loop3A_206 = arith.constant 63 : i32
      %parallel_loop3A_207 = arith.andi %parallel_loop3A_203, %parallel_loop3A_206 : i32
      %parallel_loop3A_208 = arith.constant 16 : i32
      %parallel_loop3A_209 = arith.muli %parallel_loop3A_207, %parallel_loop3A_208 : i32
      %parallel_loop3A_210 = arith.index_cast %parallel_loop3A_205 : i32 to index
      %parallel_loop3A_211 = arith.index_cast %parallel_loop3A_209 : i32 to index
      %parallel_loop3A_212 = tpu.vector_load %arg6[%parallel_loop3A_210, %parallel_loop3A_211] {strides = array<i32>} : memref<8x1024xf32, #tpu.memory_space<vmem>>, vector<1x16xf32>,
      %parallel_loop3A_213 = vector.shape_cast %parallel_loop3A_212 : vector<1x16xf32> to vector<16xf32>
      %parallel_loop3A_214 = arith.constant 0 : i32
      %parallel_loop3A_215 = arith.index_cast %parallel_loop3A_214 : i32 to index
      %parallel_loop3A_216 = arith.index_cast %parallel_loop3A_205 : i32 to index
      %parallel_loop3A_217 = arith.index_cast %parallel_loop3A_209 : i32 to index
      %parallel_loop3A_218 = tpu.vector_load %arg9[%parallel_loop3A_215, %parallel_loop3A_216, %parallel_loop3A_217] {strides = array<i32>} : memref<4x8x1024xf32, #tpu.memory_space<vmem>>, vector<1x1x16xf32>,
      %parallel_loop3A_219 = vector.shape_cast %parallel_loop3A_218 : vector<1x1x16xf32> to vector<16xf32>
      %parallel_loop3A_220 = vector.shape_cast %parallel_loop3A_213 : vector<16xf32> to vector<1x1x16xf32>
      tpu.vector_store %arg9[%parallel_loop3A_215, %parallel_loop3A_216, %parallel_loop3A_217], %parallel_loop3A_220 {add = true, strides = array<i32>} : memref<4x8x1024xf32, #tpu.memory_space<vmem>>, vector<1x1x16xf32>,
      %parallel_loop3A_221 = arith.constant 1 : i32
      %parallel_loop3A_222 = arith.index_cast %parallel_loop3A_221 : i32 to index
      %parallel_loop3A_223 = arith.index_cast %parallel_loop3A_205 : i32 to index
      %parallel_loop3A_224 = arith.index_cast %parallel_loop3A_209 : i32 to index
      %parallel_loop3A_225 = tpu.vector_load %arg9[%parallel_loop3A_222, %parallel_loop3A_223, %parallel_loop3A_224] {strides = array<i32>} : memref<4x8x1024xf32, #tpu.memory_space<vmem>>, vector<1x1x16xf32>,
      %parallel_loop3A_226 = vector.shape_cast %parallel_loop3A_225 : vector<1x1x16xf32> to vector<16xf32>
      %parallel_loop3A_227 = vector.shape_cast %parallel_loop3A_213 : vector<16xf32> to vector<1x1x16xf32>
      tpu.vector_store %arg9[%parallel_loop3A_222, %parallel_loop3A_223, %parallel_loop3A_224], %parallel_loop3A_227 {add = true, strides = array<i32>} : memref<4x8x1024xf32, #tpu.memory_space<vmem>>, vector<1x1x16xf32>,
      %parallel_loop3A_228 = arith.constant 2 : i32
      %parallel_loop3A_229 = arith.index_cast %parallel_loop3A_228 : i32 to index
      %parallel_loop3A_230 = arith.index_cast %parallel_loop3A_205 : i32 to index
      %parallel_loop3A_231 = arith.index_cast %parallel_loop3A_209 : i32 to index
      %parallel_loop3A_232 = tpu.vector_load %arg9[%parallel_loop3A_229, %parallel_loop3A_230, %parallel_loop3A_231] {strides = array<i32>} : memref<4x8x1024xf32, #tpu.memory_space<vmem>>, vector<1x1x16xf32>,
      %parallel_loop3A_233 = vector.shape_cast %parallel_loop3A_232 : vector<1x1x16xf32> to vector<16xf32>
      %parallel_loop3A_234 = vector.shape_cast %parallel_loop3A_213 : vector<16xf32> to vector<1x1x16xf32>
      tpu.vector_store %arg9[%parallel_loop3A_229, %parallel_loop3A_230, %parallel_loop3A_231], %parallel_loop3A_234 {add = true, strides = array<i32>} : memref<4x8x1024xf32, #tpu.memory_space<vmem>>, vector<1x1x16xf32>,
      %parallel_loop3A_235 = arith.constant 3 : i32
      %parallel_loop3A_236 = arith.index_cast %parallel_loop3A_235 : i32 to index
      %parallel_loop3A_237 = arith.index_cast %parallel_loop3A_205 : i32 to index
      %parallel_loop3A_238 = arith.index_cast %parallel_loop3A_209 : i32 to index
      %parallel_loop3A_239 = tpu.vector_load %arg9[%parallel_loop3A_236, %parallel_loop3A_237, %parallel_loop3A_238] {strides = array<i32>} : memref<4x8x1024xf32, #tpu.memory_space<vmem>>, vector<1x1x16xf32>,
      %parallel_loop3A_240 = vector.shape_cast %parallel_loop3A_239 : vector<1x1x16xf32> to vector<16xf32>
      %parallel_loop3A_241 = vector.shape_cast %parallel_loop3A_213 : vector<16xf32> to vector<1x1x16xf32>
      tpu.vector_store %arg9[%parallel_loop3A_236, %parallel_loop3A_237, %parallel_loop3A_238], %parallel_loop3A_241 {add = true, strides = array<i32>} : memref<4x8x1024xf32, #tpu.memory_space<vmem>>, vector<1x1x16xf32>,
    } {sc.loop_unroll_factor = 4 : i64, sc.parallel_access}
    %dma_start3A_181 = arith.constant 0 : i32
    %dma_start3A_182 = arith.constant 0 : i32
    %dma_start3A_183 = tpu.memref_slice %arg4[%dma_start3A_181, %add3A_167, %dma_start3A_182] : memref<4x8192x1024xf32, #tpu.memory_space<hbm>> -> memref<4x8x1024xf32, #tpu.memory_space<hbm>>
    %dma_start3A_184 = arith.constant 0 : i32
    %dma_start3A_185 = arith.constant 0 : i32
    %dma_start3A_186 = tpu.memref_slice %arg4[%dma_start3A_184, %add3A_167, %dma_start3A_185] : memref<4x8192x1024xf32, #tpu.memory_space<hbm>> -> memref<4x8x1024xf32, #tpu.memory_space<hbm>>
    tpu.enqueue_dma source(%arg9 : memref<4x8x1024xf32, #tpu.memory_space<vmem>>) target(%dma_start3A_186 : memref<4x8x1024xf32, #tpu.memory_space<hbm>>) target_semaphore(%arg15 : memref<!tpu.dma_semaphore, #tpu.memory_space<semaphore_mem>>)
    %add3A_187 = arith.constant 8 : i32
    %add3A_188 = arith.addi %add3A_80, %add3A_187 : i32
    %dma_wait3A_189 = arith.constant 0 : i32
    %dma_wait3A_190 = arith.constant 0 : i32
    %dma_wait3A_191 = tpu.memref_slice %arg4[%dma_wait3A_189, %add3A_188, %dma_wait3A_190] : memref<4x8192x1024xf32, #tpu.memory_space<hbm>> -> memref<4x8x1024xf32, #tpu.memory_space<hbm>>
    %dma_wait3A_192 = arith.constant 0 : i32
    %dma_wait3A_193 = arith.constant 0 : i32
    %dma_wait3A_194 = tpu.memref_slice %arg4[%dma_wait3A_192, %add3A_188, %dma_wait3A_193] : memref<4x8192x1024xf32, #tpu.memory_space<hbm>> -> memref<4x8x1024xf32, #tpu.memory_space<hbm>>
    tpu.wait_dma2 semaphore(%arg14 : memref<!tpu.dma_semaphore, #tpu.memory_space<semaphore_mem>>) src(%arg8 : memref<4x8x1024xf32, #tpu.memory_space<vmem>>) dst(%dma_wait3A_194 : memref<4x8x1024xf32, #tpu.memory_space<hbm>>)
    %add3A_195 = arith.constant 16 : i32
    %add3A_196 = arith.addi %add3A_80, %add3A_195 : i32
    %dma_wait3A_197 = arith.constant 0 : i32
    %dma_wait3A_198 = arith.constant 0 : i32
    %dma_wait3A_199 = tpu.memref_slice %arg4[%dma_wait3A_197, %add3A_196, %dma_wait3A_198] : memref<4x8192x1024xf32, #tpu.memory_space<hbm>> -> memref<4x8x1024xf32, #tpu.memory_space<hbm>>
    %dma_wait3A_200 = arith.constant 0 : i32
    %dma_wait3A_201 = arith.constant 0 : i32
    %dma_wait3A_202 = tpu.memref_slice %arg4[%dma_wait3A_200, %add3A_196, %dma_wait3A_201] : memref<4x8192x1024xf32, #tpu.memory_space<hbm>> -> memref<4x8x1024xf32, #tpu.memory_space<hbm>>
    tpu.wait_dma2 semaphore(%arg15 : memref<!tpu.dma_semaphore, #tpu.memory_space<semaphore_mem>>) src(%arg9 : memref<4x8x1024xf32, #tpu.memory_space<vmem>>) dst(%dma_wait3A_202 : memref<4x8x1024xf32, #tpu.memory_space<hbm>>)
    return
  }
}

</mosaic_0001>

<sc_bundles>
// kernel: kernel.3.cloned.1.call-start
scs
__scs_entry_jumppad:
0x0: {  	(pc) =	sbr.rel $0x88, $3  }
0x1: {  	(tag) =	ssettag $0x0;
	lr =	simm.s32 $0x1  }
0x2: {  	[smem:$0x3F9F] =	sst lr;
	_ =	strace $0xD0000000  }
0x3: {  	_ = 	snop  }
0x4: {  	_ = 	snop  }
0x5: {  	_ = 	snop  }
0x6: {  	_ = 	snop  }
0x7: {  	_ = 	snop  }
__scs_overlays_trampoline_lowered:
0x8: {  	[smem:$0x3FAE] =	sst s0  }
0x9: {  	[smem:$0x3FAF] =	sst s1  }
0xa: {  	[smem:$0x3FB0] =	sst s2  }
0xb: {  	[smem:$0x3FB1] =	sst s3  }
0xc: {  	[smem:$0x3FB2] =	sst s4  }
0xd: {  	[smem:$0x3FB3] =	sst s5  }
0xe: {  	[smem:$0x3FB4] =	sst s6  }
0xf: {  	[smem:$0x3FB5] =	sst s7  }
0x10: {  	[smem:$0x3FB6] =	sst s8  }
0x11: {  	[smem:$0x3FB7] =	sst s9;
	s0 =	simm.s32 @!p0 $0x0  }
0x12: {  	s1 =	sld [smem:$0x3F9D];
	s0 =	simm.s32 @p0 $0x1  }
0x13: {  	[smem:$0x3FB8] =	sst s0;
	s0 =	simm.s32 @!p1 $0x0  }
0x14: {  	s2 =	sld [smem:$0x3F9C];
	s0 =	simm.s32 @p1 $0x1  }
0x15: {  	[smem:$0x3FB9] =	sst s0;
	s0 =	simm.s32 @!p2 $0x0  }
0x16: {  	s3 =	sld [smem:$0x3FDB];
	s0 =	simm.s32 @p2 $0x1  }
0x17: {  	s4 =	simm.s32 $0x1BF5;
	[smem:$0x3FBB] =	sst s0  }
0x18: {  	s0 =	sld [smem:$0x3F9E];
	_ =	swait.ge [sflag:s4], $0x0  }
0x19: {  	s7 =	sld [smem:$0x3F9F]  }
0x1a: {  	s8 =	sadd.s32 $0xFFFFE003, lr  }
0x1b: {  	s9 =	sadd.s32 $0xFFFFFEF7, lr;
	s5 =	simm.s32 $0xFFFFFFFF;
	p2 =	slt.u32 s8, $0xFFFFF086  }
0x1c: {  	p1 =	slt.u32 s9, $0xF7A;
	s5 =	simm.s32 @!p2 $0x0  }
0x1d: {  	s5 =	simm.s32 @p1 $0x1;
	p0 =	seq.s32 s7, s2  }
0x1e: {  	s7 =	smul.u32 @!p0 $0xF7A, s2;
	p2 =	seq.s32 @!p0 s5, $0x0  }
0x1f: {  	s9 =	smul.u32 $0xF7A, s1;
	s8 =	simm.s32 @!p0 $0x1BF5;
	p2 =	por !p2, p0  }
0x20: {  	[sflag:s8] =	ssyncset.s32 @!p0 $0xFFFFF086;
	s6 =	sadd.s32 @!p0 s3, s7;
	s7 =	simm.s32 @!p0 $0x108  }
0x21: {  	s3 =	sadd.s32 s3, s9;
	s6 =	sadd.s32 @!p0 $0x88, s6;
	s7 =	simm.s32 @p2 $0x1082  }
0x22: {  	[simem:s7], [sflag:s8] =	dma.local @!p0 [hbm:s6], $0xF7A  }
0x23: {  	s9 =	sor.u32 $0xD0000000, s2;
	s6 =	simm.s32 $0x108;
	_ =	swait.ge @!p0 [sflag:s8], $0x0  }
0x24: {  	s3 =	sadd.s32 $0x88, s3;
	s6 =	simm.s32 @!p1 $0x1082;
	[sflag:s4] =	ssyncset.s32 $0xFFFFF086  }
0x25: {  	[simem:s6], [sflag:s4] =	dma.local [hbm:s3], $0xF7A  }
0x26: {  	[smem:$0x3F9F] =	sst s1;
	(tag) =	ssettag s2;
	_ =	strace s9  }
0x27: {  	s1 =	sld [smem:$0x3FAF]  }
0x28: {  	s2 =	sld [smem:$0x3FB0]  }
0x29: {  	s4 =	sld [smem:$0x3FB2]  }
0x2a: {  	p0 =	seq.s32 s5, $0x0;
	s5 =	sld [smem:$0x3FB3]  }
0x2b: {  	s6 =	sld [smem:$0x3FB4]  }
0x2c: {  	s7 =	sld [smem:$0x3FB5]  }
0x2d: {  	s3 =	simm.s32 $0x108;
	s8 =	sld [smem:$0x3FB6]  }
0x2e: {  	s3 =	simm.s32 @!p0 $0x1082;
	s9 =	sld [smem:$0x3FB7]  }
0x2f: {  	lr =	sadd.s32 s0, s3;
	s0 =	sld [smem:$0x3FAE]  }
0x30: {  	s3 =	sld [smem:$0x3FB1]  }
0x31: {  	[smem:$0x3FBA] =	sst s10  }
0x32: {  	s10 =	sld [smem:$0x3FB8];
	_ =	sdelay $0x3  }
0x33: {  	p0 =	seq.s32 s10, $0x1;
	s10 =	sld [smem:$0x3FBA];
	_ =	sdelay $0x3  }
0x34: {  	[smem:$0x3FBA] =	sst s10  }
0x35: {  	s10 =	sld [smem:$0x3FB9];
	_ =	sdelay $0x3  }
0x36: {  	p1 =	seq.s32 s10, $0x1;
	s10 =	sld [smem:$0x3FBA];
	_ =	sdelay $0x3  }
0x37: {  	[smem:$0x3FBA] =	sst s10  }
0x38: {  	s10 =	sld [smem:$0x3FBB]  }
0x39: {  	_ = 	snop;
	(pc) =	sbr.ind lr, $3  }
0x3a: {  	_ = 	snop  }
0x3b: {  	_ = 	snop  }
0x3c: {  	p2 =	seq.s32 s10, $0x1;
	s10 =	sld [smem:$0x3FBA]  }
0x3d: {  	_ =	shalt  }
0x3e: {  	_ =	shalt  }
0x3f: {  	_ =	shalt  }
0x40: {  	_ =	shalt  }
0x41: {  	_ =	shalt  }
0x42: {  	_ =	shalt  }
0x43: {  	_ =	shalt  }
0x44: {  	_ =	shalt  }
0x45: {  	_ =	shalt  }
0x46: {  	_ =	shalt  }
0x47: {  	_ =	shalt  }
0x48: {  	_ =	shalt  }
0x49: {  	_ =	shalt  }
0x4a: {  	_ =	shalt  }
0x4b: {  	_ =	shalt  }
0x4c: {  	_ =	shalt  }
0x4d: {  	_ =	shalt  }
0x4e: {  	_ =	shalt  }
0x4f: {  	_ =	shalt  }
0x50: {  	_ =	shalt  }
0x51: {  	_ =	shalt  }
0x52: {  	_ =	shalt  }
0x53: {  	_ =	shalt  }
0x54: {  	_ =	shalt  }
0x55: {  	_ =	shalt  }
0x56: {  	_ =	shalt  }
0x57: {  	_ =	shalt  }
0x58: {  	_ =	shalt  }
0x59: {  	_ =	shalt  }
0x5a: {  	_ =	shalt  }
0x5b: {  	_ =	shalt  }
0x5c: {  	_ =	shalt  }
0x5d: {  	_ =	shalt  }
0x5e: {  	_ =	shalt  }
0x5f: {  	_ =	shalt  }
0x60: {  	_ =	shalt  }
0x61: {  	_ =	shalt  }
0x62: {  	_ =	shalt  }
0x63: {  	_ =	shalt  }
0x64: {  	_ =	shalt  }
0x65: {  	_ =	shalt  }
0x66: {  	_ =	shalt  }
0x67: {  	_ =	shalt  }
0x68: {  	_ =	shalt  }
0x69: {  	_ =	shalt  }
0x6a: {  	_ =	shalt  }
0x6b: {  	_ =	shalt  }
0x6c: {  	_ =	shalt  }
0x6d: {  	_ =	shalt  }
0x6e: {  	_ =	shalt  }
0x6f: {  	_ =	shalt  }
0x70: {  	_ =	shalt  }
0x71: {  	_ =	shalt  }
0x72: {  	_ =	shalt  }
0x73: {  	_ =	shalt  }
0x74: {  	_ =	shalt  }
0x75: {  	_ =	shalt  }
0x76: {  	_ =	shalt  }
0x77: {  	_ =	shalt  }
0x78: {  	_ =	shalt  }
0x79: {  	_ =	shalt  }
0x7a: {  	_ =	shalt  }
0x7b: {  	_ =	shalt  }
0x7c: {  	_ =	shalt  }
0x7d: {  	_ =	shalt  }
0x7e: {  	_ =	shalt  }
0x7f: {  	_ =	shalt  }
0x80: {  	_ =	shalt  }
0x81: {  	_ =	shalt  }
0x82: {  	_ =	shalt  }
0x83: {  	_ =	shalt  }
0x84: {  	_ =	shalt  }
0x85: {  	_ =	shalt  }
0x86: {  	_ =	shalt  }
0x87: {  	_ =	shalt  }
.Lfunc_end0:
.L_simem_size_0:
called_computation_lowered:
.L_overlay_start_0:
0x88: {  	s2 =	sld [smem:$0x3FD9]  }
0x89: {  	s3 =	sld [smem:$0x3FFE];
	_ =	sdelay $0x1  }
0x8a: {  	s1 =	srdreg.scid  }
0x8b: {  	s0 =	sand.u32 $0x1, s1  }
0x8c: {  	s18 =	sshll.u32 s0, $0xA;
	s2 =	sadd.s32 s3, s2  }
0x8d: {  	s2 =	sadd.s32 s2, s18  }
0x8e: {  	[smem:$0x3FC6] =	sst s2  }
0x8f: {  	_ = 	snop  }
0x90: {  	s2 =	sld [smem:$0x3FC9]  }
0x91: {  	s19 =	sld [smem:$0x3FC8]  }
0x92: {  	s4 =	sld [smem:$0x3FD0];
	(tm) =	ssettm $0x1  }
0x93: {  	s5 =	sld [smem:$0x3FFB];
	_ =	sdelay $0x3  }
0x94: {  	_ =	strace s5  }
0x95: {  	s5 =	sld [smem:$0x3FFC];
	_ =	sdelay $0x3  }
0x96: {  	_ =	strace s5  }
0x97: {  	s5 =	sld [smem:$0x3FFD];
	_ =	sdelay $0x3  }
0x98: {  	_ =	strace s5  }
0x99: {  	_ =	strace $0x8FFFFFFF  }
0x9a: {  	s20 =	sld [smem:$0x3FDB];
	_ =	sdelay $0x1  }
0x9b: {  	s6 =	simm.s32 $_scs_section_size  }
0x9c: {  	s7 =	simm.s32 $_size__tile_overlayer_lowered;
	s8 =	simm.s32 $_tile_overlayer_lowered  }
0x9d: {  	s23 =	simm.s32 $0x1BFF;
	s22 =	sshll.u32 s8, $0x1;
	s5 =	sadd.s32 s6, s20  }
0x9e: {  	s9 =	simm.s32 $0x0;
	s21 =	sshll.u32 s7, $0x1;
	s7 =	sadd.s32 s22, s5  }
0x9f: {  	[timem:s9], [sflag:s23] =	dma.local [hbm:s7], s21  }
0xa0: {  	_ =	swait.ge [sflag:s23], s21  }
0xa1: {  	s6 =	ssub.s32 $0x0, s21;
	[sflag:s23] =	ssyncset.done $0x0  }
0xa2: {  	[sflag:s23] =	ssyncadd.s32 s6;
	_ =	sdelay $0x1  }
0xa3: {  	s24 =	simm.s32 $0x1B8B  }
0xa4: {  	_ =	swait.ge [sflag:s24], $0x1  }
0xa5: {  	[sflag:s24] =	ssyncset.done $0x0  }
0xa6: {  	s25 =	simm.s32 $0x1B8E;
	[sflag:s24] =	ssyncadd.s32 $0xFFFFFFFF  }
0xa7: {  	s26 =	simm.s32 $execute0_lowered;
	[smem:$0x3FD2] =	sst s25  }
0xa8: {  	s6 =	sshll.u32 s26, $0x1;
	_ =	strace $0x80000046;
	[dreg:$0x1] =	wrdreg $0xFFFFFFFF  }
0xa9: {  	s28 =	simm.s32 $_size_execute0_lowered;
	s5 =	sadd.s32 s5, s6;
	[dreg:$0x0] =	wrdreg $0x0  }
0xaa: {  	s6 =	sshll.u32 s28, $0x1;
	[dreg:$0x2] =	wrdreg s5  }
0xab: {  	[dreg:$0x3] =	wrdreg s6  }
0xac: {  	[dreg:$0x4] =	wrdreg $0xC0  }
0xad: {  	_ =	task [dreg:s9], $0x5FFFF  }
0xae: {  	[dreg:$0x1] =	wrdreg $0xFFFFFFFF  }
0xaf: {  	[dreg:$0x0] =	wrdreg $0x60  }
0xb0: {  	[dreg:$0x2] =	wrdreg s2  }
0xb1: {  	[dreg:$0x3] =	wrdreg s19  }
0xb2: {  	[dreg:$0x4] =	wrdreg s4  }
0xb3: {  	[dreg:$0x5] =	wrdreg $0x9  }
0xb4: {  	_ =	task.clear_ibuf [dreg:s9], $0x6FFFF;
	_ =	strace $0x90000046  }
0xb5: {  	s29 =	simm.s32 $0x9;
	_ =	strace $0x80000048  }
0xb6: {  	_ =	swait.ge [sflag:s29], $0x1  }
0xb7: {  	[sflag:s29] =	ssyncadd.s32 $0xFFFFFFFF  }
0xb8: {  	_ =	strace $0x90000048  }
0xb9: {  	_ =	sfence  }
0xba: {  	s30 =	sld [smem:$0x0];
	_ =	sdelay $0x2  }
0xbb: {  	s31 =	sshll.u32 s1, $0xD;
	s1 =	sshrl.u32 s1, $0x2  }
0xbc: {  	s3 =	sand.u32 $0x4000, s31;
	s1 =	sadd.s32 s1, s30  }
0xbd: {  	s0 =	sor.u32 s3, s0;
	s1 =	sshll.u32 s1, $0x11  }
0xbe: {  	s0 =	sor.u32 s1, s0  }
0xbf: {  	s0 =	sadd.s32 $0x8F2B, s0  }
0xc0: {  	[sflag:s0] =	ssyncadd.remote.s32 $0x1  }
0xc1: {  	_ =	sfence.sel $0xFFFF  }
0xc2: {  	[dreg:$0x0] =	wrdreg $0xFFFFFFFF;
	(pc) =	sbr.abs _section_cstart, $3  }
0xc3: {  	[dreg:$0x1] =	wrdreg $0xFFFFFFFF  }
0xc4: {  	_ =	task.clear_ibuf [dreg:s9], $0x2FFFF;
	_ =	strace $0x9FFFFFFF  }
0xc5: {  	(tm) =	ssettm $0x7FFFFFFF  }
tec
execute0_lowered:
.L_overlay_start_1:
0x0: {  	(tag) =	ssettag $0x1  }
0x1: {  	s2 =	rddreg [dreg:$0x0]  }
0x2: {  	s3 =	rddreg [dreg:$0x1];
	s0 =	srdreg.scid  }
0x3: {  	s4 =	rddreg [dreg:$0x2];
	s1 =	stileid.u32;
	s0 =	sand.u32 $0x1, s0  }
0x4: {  	s5 =	simm.s32 $0x0;
	s1 =	sshll.u32 s1, $0x9;
	s6 =	sshll.u32 s0, $0x8  }
0x5: {  	[smem:$0x7FF] =	sst s5;
	s1 =	sor.u32 s6, s1  }
0x6: {  	s0 =	ssub.s32 $0x2, s0;
	s7 =	sshll.u32 s1, $0x7;
	s1 =	sor.u32 $0x10, s1  }
0x7: {  	_ =	strace $0x80000047;
	s17 =	sadd.s32 s3, s7;
	[dreg:$0xc] =	wrdreg s1  }
0x8: {  	s15 =	sshrl.u32 s0, $0x1;
	s18 =	sadd.s32 s2, s7;
	[dreg:$0x4] =	wrdreg s17  }
0x9: {  	s0 =	ssub.s32 s0, s15;
	s21 =	sadd.s32 s4, s7;
	[dreg:$0x5] =	wrdreg s18  }
0xa: {  	s16 =	sor.u32 $0x400, s7;
	s0 =	smax.u32 s0, $0x1;
	[dreg:$0x8] =	wrdreg s21  }
0xb: {  	s19 =	sadd.s32 s3, s16;
	[dreg:$0x14] =	wrdreg s0  }
0xc: {  	s8 =	sor.u32 $0x800, s7;
	s20 =	sadd.s32 s2, s16;
	[dreg:$0x6] =	wrdreg s19  }
0xd: {  	s9 =	sadd.s32 s3, s8;
	[dreg:$0x7] =	wrdreg s20  }
0xe: {  	s8 =	sadd.s32 s2, s8;
	[dreg:$0x9] =	wrdreg s9  }
0xf: {  	s22 =	sor.u32 $0x7800, s7;
	s6 =	sadd.s32 s4, s16;
	[dreg:$0xa] =	wrdreg s8  }
0x10: {  	s23 =	sadd.s32 s3, s22;
	[dreg:$0xb] =	wrdreg s6  }
0x11: {  	s31 =	simm.s32 $0x6000;
	s24 =	sadd.s32 s2, s22;
	[dreg:$0xd] =	wrdreg s23  }
0x12: {  	s26 =	sor.u32 $0x7C00, s7;
	s25 =	sadd.s32 $0x7400, s21;
	[dreg:$0xe] =	wrdreg s24  }
0x13: {  	s28 =	simm.s32 $0x1;
	s3 =	sadd.s32 s3, s26;
	[dreg:$0xf] =	wrdreg s25  }
0x14: {  	s29 =	simm.s32 $0x4;
	s2 =	sadd.s32 s2, s26;
	[dreg:$0x10] =	wrdreg s3  }
0x15: {  	s7 =	simm.s32 $0x6;
	s30 =	sadd.s32 s4, s22;
	[dreg:$0x11] =	wrdreg s2  }
0x16: {  	s1 =	sadd.s32 s4, s26;
	s0 =	simm.s32 $0x2;
	[dreg:$0x12] =	wrdreg s30  }
0x17: {  	[dreg:$0x13] =	wrdreg s1;
	s23 =	simm.s32 $0x2000;
	s24 =	simm.s32 $0x800000  }
0x18: {  	s6 =	simm.s32 $0xE000;
	s1 =	simm.s32 $0x5;
	s3 =	simm.s32 $0x0  }
.LBB2_1:
0x19: {  	[dreg:$0x15] =	wrdreg s3  }
0x1a: {  	s2 =	simm.s32 $0x0;
	s25 =	rddreg [dreg:$0x4]  }
0x1b: {  	[tilespmem:s2], [sflag:$0x1] =	stream.linear.gather [hbm4b:s25+s2], $0x2000, $0x38;
	[tilespmem:$0x1E000] =	vst v63  }
0x1c: {  	s26 =	rddreg [dreg:$0x5]  }
0x1d: {  	[tilespmem:s31], [sflag:$0x4] =	stream.strided.gather [hbm4b:s26+s23], $0x8000, s24, s23, $0x38;
	[tilespmem:$0x1E000] =	vst v63  }
0x1e: {  	s30 =	rddreg [dreg:$0x6]  }
0x1f: {  	[tilespmem:s23], [sflag:$0x2] =	stream.linear.gather [hbm4b:s30+s2], $0x2000, $0x38;
	[tilespmem:$0x1E000] =	vst v63  }
0x20: {  	s31 =	rddreg [dreg:$0x7]  }
0x21: {  	[tilespmem:s6], [sflag:$0x5] =	stream.strided.gather [hbm4b:s31+s23], $0x8000, s24, s23, $0x38;
	[tilespmem:$0x1E000] =	vst v63  }
0x22: {  	_ =	swait.ge [sflag:s28], $0x2000  }
0x23: {  	[sflag:s28] =	ssyncset.done $0x0  }
0x24: {  	s9 =	sand.u32 $0x40, s2;
	[sflag:s28] =	ssyncadd.s32 $0xFFFFE000  }
0x25: {  	s10 =	sand.u32 $0x1C00, s2;
	s11 =	sand.u32 $0x380, s2;
	_ =	swait.ge [sflag:s29], $0x8000  }
0x26: {  	s10 =	sor.u32 s11, s10;
	s5 =	sor.u32 $0x30, s9;
	[sflag:s29] =	ssyncset.done $0x0  }
0x27: {  	s12 =	sor.u32 s5, s10;
	[sflag:s29] =	ssyncadd.s32 $0xFFFF8000  }
0x28: {  	s13 =	sor.u32 $0x10, s9;
	s15 =	sor.u32 s9, s10;
	v1 =	vld [tilespmem:s12+$0x0]  }
0x29: {  	s17 =	sor.u32 s13, s10;
	v2 =	vld [tilespmem:s15+$0x0]  }
0x2a: {  	s16 =	sor.u32 $0x20, s9;
	v3 =	vld [tilespmem:s17+$0x0]  }
0x2b: {  	s18 =	sor.u32 s16, s10  }
0x2c: {  	v0 =	vld [tilespmem:s18+$0x0];
	s12 =	sor.u32 $0x6000, s12  }
0x2d: {  	s21 =	sor.u32 $0x6000, s15;
	[tilespmem:s12+$0x0] =	vst.add.f32.msk $0xffff, v1  }
0x2e: {  	s19 =	sor.u32 $0x8000, s10;
	s26 =	sor.u32 $0x6000, s17;
	[tilespmem:s21+$0x0] =	vst.add.f32.msk $0xffff, v2  }
0x2f: {  	s8 =	sor.u32 s5, s19;
	[tilespmem:s26+$0x0] =	vst.add.f32.msk $0xffff, v3  }
0x30: {  	s22 =	sor.u32 s9, s19;
	[tilespmem:s8+$0x0] =	vst.add.f32.msk $0xffff, v1  }
0x31: {  	s20 =	sor.u32 $0xA000, s10;
	s30 =	sor.u32 s13, s19;
	[tilespmem:s22+$0x0] =	vst.add.f32.msk $0xffff, v2  }
0x32: {  	s14 =	sor.u32 s5, s20;
	[tilespmem:s30+$0x0] =	vst.add.f32.msk $0xffff, v3  }
0x33: {  	s25 =	sor.u32 s9, s20;
	[tilespmem:s14+$0x0] =	vst.add.f32.msk $0xffff, v1  }
0x34: {  	s10 =	sor.u32 $0xC000, s10;
	s31 =	sor.u32 s13, s20;
	[tilespmem:s25+$0x0] =	vst.add.f32.msk $0xffff, v2  }
0x35: {  	s4 =	simm.s32 $0x6000;
	s11 =	sor.u32 s5, s10;
	s9 =	sor.u32 s9, s10;
	[tilespmem:s31+$0x0] =	vst.add.f32.msk $0xffff, v3  }
0x36: {  	s13 =	sor.u32 s13, s10;
	s15 =	sor.u32 $0x6000, s18;
	s17 =	sor.u32 s16, s19;
	[tilespmem:s11+$0x0] =	vst.add.f32.msk $0xffff, v1  }
0x37: {  	s18 =	sor.u32 s16, s20;
	s16 =	sor.u32 s16, s10;
	s12 =	simm.s32 $0x200;
	[tilespmem:s9+$0x0] =	vst.add.f32.msk $0xffff, v2  }
0x38: {  	s9 =	simm.s32 $0x0;
	[tilespmem:s13+$0x0] =	vst.add.f32.msk $0xffff, v3;
	s11 =	simm.s32 $0x8;
	s13 =	simm.s32 $0x40  }
.LBB2_2:
0x39: {  	s10 =	sand.u32 $0x40, s13;
	s19 =	sand.u32 $0x1C00, s12;
	s20 =	sand.u32 $0x380, s11;
	[tilespmem:s15+$0x0] =	vst.add.f32.msk $0xffff, v0  }
0x3a: {  	s19 =	sor.u32 s20, s19;
	s20 =	sor.u32 $0x10, s10;
	s21 =	sor.u32 $0x30, s10;
	[tilespmem:s17+$0x0] =	vst.add.f32.msk $0xffff, v0  }
0x3b: {  	s22 =	sor.u32 $0x20, s10;
	s15 =	sor.u32 s10, s19;
	s17 =	sor.u32 s21, s19;
	[tilespmem:s18+$0x0] =	vst.add.f32.msk $0xffff, v0  }
0x3c: {  	s9 =	sadd.s32 $0x4, s9;
	s18 =	sor.u32 s20, s19;
	s5 =	sor.u32 s22, s19;
	v1 =	vld [tilespmem:s17+$0x0]  }
0x3d: {  	p0 =	slt.u32 s9, $0x1FC;
	s8 =	sor.u32 $0x6000, s15;
	s30 =	sor.u32 $0x6000, s18;
	v2 =	vld [tilespmem:s15+$0x0]  }
0x3e: {  	s15 =	sor.u32 $0x6000, s5;
	v3 =	vld [tilespmem:s18+$0x0]  }
0x3f: {  	v4 =	vld [tilespmem:s5+$0x0]  }
0x40: {  	s17 =	sor.u32 $0x6000, s17;
	s5 =	sor.u32 $0x8000, s19;
	[tilespmem:s16+$0x0] =	vst.add.f32.msk $0xffff, v0  }
0x41: {  	s14 =	sor.u32 s10, s5;
	s16 =	sor.u32 $0xA000, s19;
	[tilespmem:s17+$0x0] =	vst.add.f32.msk $0xffff, v1;
	s17 =	sor.u32 s21, s5  }
0x42: {  	s19 =	sor.u32 $0xC000, s19;
	s31 =	sor.u32 s10, s16;
	[tilespmem:s17+$0x0] =	vst.add.f32.msk $0xffff, v1;
	s17 =	sor.u32 s21, s16  }
0x43: {  	s25 =	sor.u32 s20, s5;
	s10 =	sor.u32 s10, s19;
	s18 =	sor.u32 s21, s19;
	[tilespmem:s17+$0x0] =	vst.add.f32.msk $0xffff, v1  }
0x44: {  	s21 =	sor.u32 s20, s16;
	s20 =	sor.u32 s20, s19;
	s17 =	sor.u32 s22, s5;
	[tilespmem:s18+$0x0] =	vst.add.f32.msk $0xffff, v1;
	v0 =	vmov v4  }
0x45: {  	s18 =	sor.u32 s22, s16;
	s16 =	sor.u32 s22, s19;
	[tilespmem:s8+$0x0] =	vst.add.f32.msk $0xffff, v2  }
0x46: {  	[tilespmem:s14+$0x0] =	vst.add.f32.msk $0xffff, v2  }
0x47: {  	[tilespmem:s31+$0x0] =	vst.add.f32.msk $0xffff, v2  }
.Ltmp0:
0x48: {  	[tilespmem:s10+$0x0] =	vst.add.f32.msk $0xffff, v2;
	(pc) =	sbr.rel @p0 .LBB2_2-.Ltmp0, $4  }
0x49: {  	[tilespmem:s30+$0x0] =	vst.add.f32.msk $0xffff, v3  }
0x4a: {  	[tilespmem:s25+$0x0] =	vst.add.f32.msk $0xffff, v3  }
0x4b: {  	[tilespmem:s21+$0x0] =	vst.add.f32.msk $0xffff, v3  }
0x4c: {  	s11 =	sadd.s32 $0x8, s11;
	s12 =	sadd.s32 $0x200, s12;
	s13 =	sadd.s32 $0x40, s13;
	[tilespmem:s20+$0x0] =	vst.add.f32.msk $0xffff, v3  }
0x4d: {  	[tilespmem:s15+$0x0] =	vst.add.f32.msk $0xffff, v0  }
0x4e: {  	[tilespmem:s17+$0x0] =	vst.add.f32.msk $0xffff, v0  }
0x4f: {  	[tilespmem:s18+$0x0] =	vst.add.f32.msk $0xffff, v0  }
0x50: {  	[tilespmem:s16+$0x0] =	vst.add.f32.msk $0xffff, v0  }
0x51: {  	s2 =	rddreg [dreg:$0x8]  }
0x52: {  	[hbm4b:s2+s23] =	stream.strided.scatter [tilespmem:s4], [sflag:$0x4], $0x8000, s24, s23, $0x38;
	[tilespmem:$0x1E000] =	vst v63  }
0x53: {  	s5 =	simm.s32 $0x0;
	s3 =	simm.s32 $0x4000;
	s25 =	rddreg [dreg:$0x9]  }
0x54: {  	[tilespmem:s3], [sflag:$0x3] =	stream.linear.gather [hbm4b:s25+s5], $0x2000, $0x38;
	[tilespmem:$0x1E000] =	vst v63  }
0x55: {  	s30 =	simm.s32 $0x16000;
	s26 =	rddreg [dreg:$0xa]  }
0x56: {  	[tilespmem:s30], [sflag:$0x6] =	stream.strided.gather [hbm4b:s26+s23], $0x8000, s24, s23, $0x38;
	[tilespmem:$0x1E000] =	vst v63  }
0x57: {  	_ =	swait.ge [sflag:s0], $0x2000  }
0x58: {  	[sflag:s0] =	ssyncset.done $0x0  }
0x59: {  	s8 =	sand.u32 $0x40, s5;
	[sflag:s0] =	ssyncadd.s32 $0xFFFFE000  }
0x5a: {  	s9 =	sand.u32 $0x1C00, s5;
	s5 =	sand.u32 $0x380, s5;
	_ =	swait.ge [sflag:s1], $0x8000  }
0x5b: {  	s31 =	sor.u32 $0x30, s8;
	s5 =	sor.u32 s5, s9;
	[sflag:s1] =	ssyncset.done $0x0  }
0x5c: {  	s10 =	sor.u32 s31, s5;
	[sflag:s1] =	ssyncadd.s32 $0xFFFF8000  }
0x5d: {  	s11 =	sor.u32 $0x10, s8;
	s12 =	sor.u32 s8, s5;
	v1 =	vld [tilespmem:s10+$0x2000]  }
0x5e: {  	s14 =	sor.u32 s11, s5;
	v2 =	vld [tilespmem:s12+$0x2000]  }
0x5f: {  	s13 =	sor.u32 $0x20, s8;
	v3 =	vld [tilespmem:s14+$0x2000]  }
0x60: {  	s2 =	sor.u32 s13, s5  }
0x61: {  	v0 =	vld [tilespmem:s2+$0x2000];
	s10 =	sor.u32 $0xE000, s10  }
0x62: {  	s21 =	sor.u32 $0xE000, s12;
	[tilespmem:s10+$0x0] =	vst.add.f32.msk $0xffff, v1  }
0x63: {  	s3 =	sor.u32 $0x10000, s5;
	s26 =	sor.u32 $0xE000, s14;
	[tilespmem:s21+$0x0] =	vst.add.f32.msk $0xffff, v2  }
0x64: {  	s19 =	sor.u32 s31, s3;
	[tilespmem:s26+$0x0] =	vst.add.f32.msk $0xffff, v3  }
0x65: {  	s22 =	sor.u32 s8, s3;
	[tilespmem:s19+$0x0] =	vst.add.f32.msk $0xffff, v1  }
0x66: {  	s4 =	sor.u32 $0x12000, s5;
	s30 =	sor.u32 s11, s3;
	[tilespmem:s22+$0x0] =	vst.add.f32.msk $0xffff, v2  }
0x67: {  	s20 =	sor.u32 s31, s4;
	[tilespmem:s30+$0x0] =	vst.add.f32.msk $0xffff, v3  }
0x68: {  	s5 =	sor.u32 $0x14000, s5;
	s25 =	sor.u32 s8, s4;
	[tilespmem:s20+$0x0] =	vst.add.f32.msk $0xffff, v1  }
0x69: {  	s9 =	sor.u32 s31, s5;
	s31 =	sor.u32 s11, s4;
	[tilespmem:s25+$0x0] =	vst.add.f32.msk $0xffff, v2  }
0x6a: {  	s8 =	sor.u32 s8, s5;
	[tilespmem:s31+$0x0] =	vst.add.f32.msk $0xffff, v3  }
0x6b: {  	s15 =	sor.u32 $0xE000, s2;
	s11 =	sor.u32 s11, s5;
	s17 =	sor.u32 s13, s3;
	[tilespmem:s9+$0x0] =	vst.add.f32.msk $0xffff, v1  }
0x6c: {  	s18 =	sor.u32 s13, s4;
	s16 =	sor.u32 s13, s5;
	s13 =	simm.s32 $0x40;
	[tilespmem:s8+$0x0] =	vst.add.f32.msk $0xffff, v2  }
0x6d: {  	s12 =	simm.s32 $0x200;
	s9 =	simm.s32 $0x0;
	[tilespmem:s11+$0x0] =	vst.add.f32.msk $0xffff, v3;
	s11 =	simm.s32 $0x8  }
.LBB2_4:
0x6e: {  	s5 =	sand.u32 $0x40, s13;
	s8 =	sand.u32 $0x1C00, s12;
	s10 =	sand.u32 $0x380, s11;
	[tilespmem:s15+$0x0] =	vst.add.f32.msk $0xffff, v0  }
0x6f: {  	s8 =	sor.u32 s10, s8;
	s10 =	sor.u32 $0x10, s5;
	s14 =	sor.u32 $0x30, s5;
	[tilespmem:s17+$0x0] =	vst.add.f32.msk $0xffff, v0  }
0x70: {  	s19 =	sor.u32 $0x20, s5;
	s15 =	sor.u32 s5, s8;
	s17 =	sor.u32 s14, s8;
	[tilespmem:s18+$0x0] =	vst.add.f32.msk $0xffff, v0  }
0x71: {  	s9 =	sadd.s32 $0x4, s9;
	s18 =	sor.u32 s10, s8;
	s20 =	sor.u32 s19, s8;
	v1 =	vld [tilespmem:s17+$0x2000]  }
0x72: {  	p0 =	slt.u32 s9, $0x1FC;
	s21 =	sor.u32 $0xE000, s15;
	s22 =	sor.u32 $0xE000, s18;
	v2 =	vld [tilespmem:s15+$0x2000]  }
0x73: {  	s15 =	sor.u32 $0xE000, s20;
	v3 =	vld [tilespmem:s18+$0x2000]  }
0x74: {  	v4 =	vld [tilespmem:s20+$0x2000]  }
0x75: {  	s17 =	sor.u32 $0xE000, s17;
	s18 =	sor.u32 $0x10000, s8;
	[tilespmem:s16+$0x0] =	vst.add.f32.msk $0xffff, v0  }
0x76: {  	s20 =	sor.u32 s5, s18;
	s16 =	sor.u32 $0x12000, s8;
	[tilespmem:s17+$0x0] =	vst.add.f32.msk $0xffff, v1;
	s17 =	sor.u32 s14, s18  }
0x77: {  	s8 =	sor.u32 $0x14000, s8;
	s25 =	sor.u32 s5, s16;
	[tilespmem:s17+$0x0] =	vst.add.f32.msk $0xffff, v1;
	s17 =	sor.u32 s14, s16  }
0x78: {  	s30 =	sor.u32 s10, s18;
	s5 =	sor.u32 s5, s8;
	s14 =	sor.u32 s14, s8;
	[tilespmem:s17+$0x0] =	vst.add.f32.msk $0xffff, v1  }
0x79: {  	s31 =	sor.u32 s10, s16;
	s10 =	sor.u32 s10, s8;
	s17 =	sor.u32 s19, s18;
	[tilespmem:s14+$0x0] =	vst.add.f32.msk $0xffff, v1;
	v0 =	vmov v4  }
0x7a: {  	s18 =	sor.u32 s19, s16;
	s16 =	sor.u32 s19, s8;
	[tilespmem:s21+$0x0] =	vst.add.f32.msk $0xffff, v2  }
0x7b: {  	[tilespmem:s20+$0x0] =	vst.add.f32.msk $0xffff, v2  }
0x7c: {  	[tilespmem:s25+$0x0] =	vst.add.f32.msk $0xffff, v2  }
.Ltmp1:
0x7d: {  	[tilespmem:s5+$0x0] =	vst.add.f32.msk $0xffff, v2;
	(pc) =	sbr.rel @p0 .LBB2_4-.Ltmp1, $4  }
0x7e: {  	[tilespmem:s22+$0x0] =	vst.add.f32.msk $0xffff, v3  }
0x7f: {  	[tilespmem:s30+$0x0] =	vst.add.f32.msk $0xffff, v3  }
0x80: {  	[tilespmem:s31+$0x0] =	vst.add.f32.msk $0xffff, v3  }
0x81: {  	s11 =	sadd.s32 $0x8, s11;
	s12 =	sadd.s32 $0x200, s12;
	s13 =	sadd.s32 $0x40, s13;
	[tilespmem:s10+$0x0] =	vst.add.f32.msk $0xffff, v3  }
0x82: {  	[tilespmem:s15+$0x0] =	vst.add.f32.msk $0xffff, v0  }
0x83: {  	[tilespmem:s17+$0x0] =	vst.add.f32.msk $0xffff, v0  }
0x84: {  	[tilespmem:s18+$0x0] =	vst.add.f32.msk $0xffff, v0  }
0x85: {  	s9 =	simm.s32 $0x0;
	[tilespmem:s16+$0x0] =	vst.add.f32.msk $0xffff, v0  }
0x86: {  	s11 =	simm.s32 $0x0;
	s31 =	simm.s32 $0x6000;
	s2 =	rddreg [dreg:$0xb]  }
0x87: {  	[hbm4b:s2+s23] =	stream.strided.scatter [tilespmem:s6], [sflag:$0x5], $0x8000, s24, s23, $0x38;
	[tilespmem:$0x1E000] =	vst v63  }
.LBB2_6:
0x88: {  	s5 =	smul.u32 $0x18, s11  }
0x89: {  	s2 =	rddreg [dreg:$0xc];
	_ =	swait.ge [sflag:s29], $0x8000  }
0x8a: {  	[sflag:s29] =	ssyncset.done $0x0;
	s5 =	sadd.s32 s5, s2  }
0x8b: {  	[sflag:s29] =	ssyncadd.s32 $0xFFFF8000;
	s12 =	sshll.u32 s5, $0x7  }
0x8c: {  	s18 =	rddreg [dreg:$0x1];
	s15 =	sadd.s32 $0x400, s12  }
0x8d: {  	s20 =	rddreg [dreg:$0x0];
	s19 =	sadd.s32 s18, s15  }
0x8e: {  	[tilespmem:s9], [sflag:$0x1] =	stream.linear.gather [hbm4b:s19+s9], $0x2000, $0x38;
	[tilespmem:$0x1E000] =	vst v63  }
0x8f: {  	s22 =	simm.s32 $0x3;
	s21 =	sadd.s32 s20, s15  }
0x90: {  	[tilespmem:s31], [sflag:$0x4] =	stream.strided.gather [hbm4b:s21+s23], $0x8000, s24, s23, $0x38;
	[tilespmem:$0x1E000] =	vst v63  }
0x91: {  	_ =	swait.ge [sflag:s22], $0x2000  }
0x92: {  	[sflag:s22] =	ssyncset.done $0x0  }
0x93: {  	s25 =	sand.u32 $0x40, s9;
	[sflag:s22] =	ssyncadd.s32 $0xFFFFE000  }
0x94: {  	s8 =	sand.u32 $0x1C00, s9;
	s10 =	sand.u32 $0x380, s9;
	_ =	swait.ge [sflag:s7], $0x8000  }
0x95: {  	s8 =	sor.u32 s10, s8;
	s26 =	sor.u32 $0x30, s25;
	[sflag:s7] =	ssyncset.done $0x0  }
0x96: {  	s13 =	sor.u32 s26, s8;
	[sflag:s7] =	ssyncadd.s32 $0xFFFF8000  }
0x97: {  	s14 =	sor.u32 s25, s8;
	s18 =	sor.u32 $0x10, s25;
	v0 =	vld [tilespmem:s13+$0x4000]  }
0x98: {  	s19 =	sor.u32 s18, s8;
	v1 =	vld [tilespmem:s14+$0x4000]  }
0x99: {  	v2 =	vld [tilespmem:s19+$0x4000]  }
0x9a: {  	s4 =	sor.u32 $0x20, s25  }
0x9b: {  	s16 =	sor.u32 $0x18000, s8;
	s17 =	sor.u32 $0x1A000, s8;
	s13 =	sor.u32 $0x16000, s13  }
0x9c: {  	s2 =	sor.u32 $0x16000, s14;
	s3 =	sor.u32 s25, s16;
	s20 =	sor.u32 $0x1C000, s8;
	[tilespmem:s13+$0x0] =	vst.add.f32.msk $0xffff, v0  }
0x9d: {  	s5 =	sor.u32 s25, s20;
	s22 =	sor.u32 s25, s17;
	s25 =	sor.u32 $0x16000, s19;
	[tilespmem:s2+$0x0] =	vst.add.f32.msk $0xffff, v1  }
0x9e: {  	s30 =	sor.u32 s26, s16;
	[tilespmem:s25+$0x0] =	vst.add.f32.msk $0xffff, v2  }
0x9f: {  	[tilespmem:s30+$0x0] =	vst.add.f32.msk $0xffff, v0  }
0xa0: {  	s10 =	sor.u32 s26, s20;
	s31 =	sor.u32 s26, s17;
	s26 =	sor.u32 s18, s16;
	[tilespmem:s3+$0x0] =	vst.add.f32.msk $0xffff, v1  }
0xa1: {  	[tilespmem:s26+$0x0] =	vst.add.f32.msk $0xffff, v2  }
0xa2: {  	[tilespmem:s31+$0x0] =	vst.add.f32.msk $0xffff, v0  }
0xa3: {  	s8 =	sor.u32 s4, s8;
	[tilespmem:s10+$0x0] =	vst.add.f32.msk $0xffff, v0  }
0xa4: {  	v0 =	vld [tilespmem:s8+$0x4000]  }
0xa5: {  	s30 =	sor.u32 s18, s17;
	[tilespmem:s22+$0x0] =	vst.add.f32.msk $0xffff, v1  }
0xa6: {  	s21 =	sor.u32 s4, s16;
	s16 =	simm.s32 $0x8;
	s19 =	sor.u32 $0x16000, s8;
	[tilespmem:s30+$0x0] =	vst.add.f32.msk $0xffff, v2  }
0xa7: {  	s13 =	simm.s32 $0x0;
	s31 =	sor.u32 s18, s20;
	s22 =	sor.u32 s4, s17;
	[tilespmem:s5+$0x0] =	vst.add.f32.msk $0xffff, v1  }
0xa8: {  	s20 =	sor.u32 s4, s20;
	s17 =	simm.s32 $0x200;
	s18 =	simm.s32 $0x40;
	[tilespmem:s31+$0x0] =	vst.add.f32.msk $0xffff, v2  }
.LBB2_7:
0xa9: {  	s5 =	sand.u32 $0x40, s18;
	s8 =	sand.u32 $0x1C00, s17;
	s10 =	sand.u32 $0x380, s16;
	[tilespmem:s19+$0x0] =	vst.add.f32.msk $0xffff, v0  }
0xaa: {  	s8 =	sor.u32 s10, s8;
	s10 =	sor.u32 $0x10, s5;
	s14 =	sor.u32 $0x30, s5;
	[tilespmem:s21+$0x0] =	vst.add.f32.msk $0xffff, v0  }
0xab: {  	s25 =	sor.u32 $0x20, s5;
	s19 =	sor.u32 s5, s8;
	s21 =	sor.u32 s14, s8;
	[tilespmem:s22+$0x0] =	vst.add.f32.msk $0xffff, v0  }
0xac: {  	s13 =	sadd.s32 $0x4, s13;
	s22 =	sor.u32 s10, s8;
	s30 =	sor.u32 s25, s8;
	v1 =	vld [tilespmem:s21+$0x4000]  }
0xad: {  	p0 =	slt.u32 s13, $0x1FC;
	s31 =	sor.u32 $0x16000, s19;
	s26 =	sor.u32 $0x16000, s22;
	v2 =	vld [tilespmem:s19+$0x4000]  }
0xae: {  	s19 =	sor.u32 $0x16000, s30;
	v3 =	vld [tilespmem:s22+$0x4000]  }
0xaf: {  	v4 =	vld [tilespmem:s30+$0x4000]  }
0xb0: {  	s21 =	sor.u32 $0x16000, s21;
	s22 =	sor.u32 $0x18000, s8;
	[tilespmem:s20+$0x0] =	vst.add.f32.msk $0xffff, v0  }
0xb1: {  	s30 =	sor.u32 s5, s22;
	s20 =	sor.u32 $0x1A000, s8;
	[tilespmem:s21+$0x0] =	vst.add.f32.msk $0xffff, v1;
	s21 =	sor.u32 s14, s22  }
0xb2: {  	s8 =	sor.u32 $0x1C000, s8;
	s2 =	sor.u32 s5, s20;
	[tilespmem:s21+$0x0] =	vst.add.f32.msk $0xffff, v1;
	s21 =	sor.u32 s14, s20  }
0xb3: {  	s3 =	sor.u32 s10, s22;
	s5 =	sor.u32 s5, s8;
	s14 =	sor.u32 s14, s8;
	[tilespmem:s21+$0x0] =	vst.add.f32.msk $0xffff, v1  }
0xb4: {  	s4 =	sor.u32 s10, s20;
	s10 =	sor.u32 s10, s8;
	s21 =	sor.u32 s25, s22;
	[tilespmem:s14+$0x0] =	vst.add.f32.msk $0xffff, v1;
	v0 =	vmov v4  }
0xb5: {  	s22 =	sor.u32 s25, s20;
	s20 =	sor.u32 s25, s8;
	[tilespmem:s31+$0x0] =	vst.add.f32.msk $0xffff, v2  }
0xb6: {  	[tilespmem:s30+$0x0] =	vst.add.f32.msk $0xffff, v2  }
0xb7: {  	[tilespmem:s2+$0x0] =	vst.add.f32.msk $0xffff, v2  }
.Ltmp2:
0xb8: {  	[tilespmem:s5+$0x0] =	vst.add.f32.msk $0xffff, v2;
	(pc) =	sbr.rel @p0 .LBB2_7-.Ltmp2, $4  }
0xb9: {  	[tilespmem:s26+$0x0] =	vst.add.f32.msk $0xffff, v3  }
0xba: {  	[tilespmem:s3+$0x0] =	vst.add.f32.msk $0xffff, v3  }
0xbb: {  	[tilespmem:s4+$0x0] =	vst.add.f32.msk $0xffff, v3  }
0xbc: {  	s16 =	sadd.s32 $0x8, s16;
	s17 =	sadd.s32 $0x200, s17;
	s18 =	sadd.s32 $0x40, s18;
	[tilespmem:s10+$0x0] =	vst.add.f32.msk $0xffff, v3  }
0xbd: {  	[tilespmem:s19+$0x0] =	vst.add.f32.msk $0xffff, v0  }
0xbe: {  	[tilespmem:s21+$0x0] =	vst.add.f32.msk $0xffff, v0  }
0xbf: {  	s2 =	rddreg [dreg:$0x2];
	[tilespmem:s22+$0x0] =	vst.add.f32.msk $0xffff, v0  }
0xc0: {  	s3 =	simm.s32 $0x16000;
	s2 =	sadd.s32 s2, s12;
	[tilespmem:s20+$0x0] =	vst.add.f32.msk $0xffff, v0  }
0xc1: {  	[hbm4b:s2+s23] =	stream.strided.scatter [tilespmem:s3], [sflag:$0x6], $0x8000, s24, s23, $0x38;
	[tilespmem:$0x1E000] =	vst v63  }
0xc2: {  	_ =	swait.ge [sflag:s1], $0x8000  }
0xc3: {  	[sflag:s1] =	ssyncset.done $0x0  }
0xc4: {  	[sflag:s1] =	ssyncadd.s32 $0xFFFF8000  }
0xc5: {  	s13 =	sadd.s32 $0x800, s12;
	s25 =	rddreg [dreg:$0x1]  }
0xc6: {  	s26 =	simm.s32 $0x0;
	s30 =	rddreg [dreg:$0x0];
	s2 =	sadd.s32 s25, s13  }
0xc7: {  	[tilespmem:s23], [sflag:$0x2] =	stream.linear.gather [hbm4b:s2+s26], $0x2000, $0x38;
	[tilespmem:$0x1E000] =	vst v63  }
0xc8: {  	s2 =	sadd.s32 s30, s13  }
0xc9: {  	[tilespmem:s6], [sflag:$0x5] =	stream.strided.gather [hbm4b:s2+s23], $0x8000, s24, s23, $0x38;
	[tilespmem:$0x1E000] =	vst v63  }
0xca: {  	_ =	swait.ge [sflag:s28], $0x2000  }
0xcb: {  	[sflag:s28] =	ssyncset.done $0x0  }
0xcc: {  	s31 =	sand.u32 $0x40, s26;
	[sflag:s28] =	ssyncadd.s32 $0xFFFFE000  }
0xcd: {  	s4 =	sand.u32 $0x1C00, s26;
	s3 =	sand.u32 $0x380, s26;
	_ =	swait.ge [sflag:s29], $0x8000  }
0xce: {  	s3 =	sor.u32 s3, s4;
	s6 =	sor.u32 $0x30, s31;
	[sflag:s29] =	ssyncset.done $0x0  }
0xcf: {  	s5 =	sor.u32 s6, s3;
	[sflag:s29] =	ssyncadd.s32 $0xFFFF8000  }
0xd0: {  	s8 =	sor.u32 s31, s3;
	v0 =	vld [tilespmem:s5+$0x0]  }
0xd1: {  	v1 =	vld [tilespmem:s8+$0x0];
	_ =	sdelay $0x2  }
0xd2: {  	s5 =	sor.u32 $0x6000, s5  }
0xd3: {  	s10 =	sor.u32 $0x8000, s3;
	s8 =	sor.u32 $0x6000, s8;
	[tilespmem:s5+$0x0] =	vst.add.f32.msk $0xffff, v0  }
0xd4: {  	s16 =	sor.u32 s6, s10;
	[tilespmem:s8+$0x0] =	vst.add.f32.msk $0xffff, v1  }
0xd5: {  	s14 =	sor.u32 $0xA000, s3;
	s20 =	sor.u32 s31, s10;
	[tilespmem:s16+$0x0] =	vst.add.f32.msk $0xffff, v0  }
0xd6: {  	s17 =	sor.u32 $0x10, s31;
	s18 =	sor.u32 s6, s14;
	[tilespmem:s20+$0x0] =	vst.add.f32.msk $0xffff, v1  }
0xd7: {  	s16 =	sor.u32 s17, s3;
	[tilespmem:s18+$0x0] =	vst.add.f32.msk $0xffff, v0  }
0xd8: {  	s19 =	sor.u32 $0xC000, s3;
	s22 =	sor.u32 s31, s14;
	v2 =	vld [tilespmem:s16+$0x0]  }
0xd9: {  	s21 =	sor.u32 $0x20, s31;
	s4 =	sor.u32 s6, s19;
	[tilespmem:s22+$0x0] =	vst.add.f32.msk $0xffff, v1  }
0xda: {  	s3 =	sor.u32 s21, s3;
	[tilespmem:s4+$0x0] =	vst.add.f32.msk $0xffff, v0  }
0xdb: {  	s2 =	sor.u32 s31, s19;
	v0 =	vld [tilespmem:s3+$0x0]  }
0xdc: {  	s25 =	sor.u32 $0x6000, s16;
	[tilespmem:s2+$0x0] =	vst.add.f32.msk $0xffff, v1  }
0xdd: {  	s26 =	sor.u32 s17, s10;
	s30 =	sor.u32 s17, s14;
	[tilespmem:s25+$0x0] =	vst.add.f32.msk $0xffff, v2  }
0xde: {  	s31 =	sor.u32 s17, s19;
	s17 =	simm.s32 $0x8;
	s16 =	simm.s32 $0x0;
	[tilespmem:s26+$0x0] =	vst.add.f32.msk $0xffff, v2  }
0xdf: {  	s20 =	sor.u32 $0x6000, s3;
	s22 =	sor.u32 s21, s10;
	s10 =	sor.u32 s21, s14;
	[tilespmem:s30+$0x0] =	vst.add.f32.msk $0xffff, v2  }
0xe0: {  	s21 =	sor.u32 s21, s19;
	s18 =	simm.s32 $0x200;
	s19 =	simm.s32 $0x40;
	[tilespmem:s31+$0x0] =	vst.add.f32.msk $0xffff, v2  }
.LBB2_9:
0xe1: {  	s2 =	sand.u32 $0x40, s19;
	s3 =	sand.u32 $0x1C00, s18;
	s4 =	sand.u32 $0x380, s17;
	[tilespmem:s20+$0x0] =	vst.add.f32.msk $0xffff, v0  }
0xe2: {  	s3 =	sor.u32 s4, s3;
	s4 =	sor.u32 $0x10, s2;
	s5 =	sor.u32 $0x30, s2;
	[tilespmem:s22+$0x0] =	vst.add.f32.msk $0xffff, v0  }
0xe3: {  	s14 =	sor.u32 $0x20, s2;
	s8 =	sor.u32 s2, s3;
	s22 =	sor.u32 s5, s3;
	[tilespmem:s10+$0x0] =	vst.add.f32.msk $0xffff, v0  }
0xe4: {  	s16 =	sadd.s32 $0x4, s16;
	s10 =	sor.u32 s4, s3;
	s25 =	sor.u32 s14, s3;
	v1 =	vld [tilespmem:s22+$0x0]  }
0xe5: {  	p0 =	slt.u32 s16, $0x1FC;
	s26 =	sor.u32 $0x6000, s10;
	v2 =	vld [tilespmem:s8+$0x0];
	s8 =	sor.u32 $0x6000, s8  }
0xe6: {  	s20 =	sor.u32 $0x6000, s25;
	v3 =	vld [tilespmem:s10+$0x0]  }
0xe7: {  	v4 =	vld [tilespmem:s25+$0x0]  }
0xe8: {  	s22 =	sor.u32 $0x6000, s22;
	s10 =	sor.u32 $0x8000, s3;
	[tilespmem:s21+$0x0] =	vst.add.f32.msk $0xffff, v0  }
0xe9: {  	s25 =	sor.u32 s2, s10;
	s21 =	sor.u32 $0xA000, s3;
	[tilespmem:s22+$0x0] =	vst.add.f32.msk $0xffff, v1;
	s22 =	sor.u32 s5, s10  }
0xea: {  	s3 =	sor.u32 $0xC000, s3;
	s30 =	sor.u32 s2, s21;
	[tilespmem:s22+$0x0] =	vst.add.f32.msk $0xffff, v1;
	s22 =	sor.u32 s5, s21  }
0xeb: {  	s31 =	sor.u32 s4, s10;
	s2 =	sor.u32 s2, s3;
	s5 =	sor.u32 s5, s3;
	[tilespmem:s22+$0x0] =	vst.add.f32.msk $0xffff, v1  }
0xec: {  	s6 =	sor.u32 s4, s21;
	s4 =	sor.u32 s4, s3;
	s22 =	sor.u32 s14, s10;
	[tilespmem:s5+$0x0] =	vst.add.f32.msk $0xffff, v1;
	v0 =	vmov v4  }
0xed: {  	s10 =	sor.u32 s14, s21;
	s21 =	sor.u32 s14, s3;
	[tilespmem:s8+$0x0] =	vst.add.f32.msk $0xffff, v2  }
0xee: {  	[tilespmem:s25+$0x0] =	vst.add.f32.msk $0xffff, v2  }
0xef: {  	[tilespmem:s30+$0x0] =	vst.add.f32.msk $0xffff, v2  }
.Ltmp3:
0xf0: {  	[tilespmem:s2+$0x0] =	vst.add.f32.msk $0xffff, v2;
	(pc) =	sbr.rel @p0 .LBB2_9-.Ltmp3, $4  }
0xf1: {  	[tilespmem:s26+$0x0] =	vst.add.f32.msk $0xffff, v3  }
0xf2: {  	[tilespmem:s31+$0x0] =	vst.add.f32.msk $0xffff, v3  }
0xf3: {  	[tilespmem:s6+$0x0] =	vst.add.f32.msk $0xffff, v3  }
0xf4: {  	s17 =	sadd.s32 $0x8, s17;
	s18 =	sadd.s32 $0x200, s18;
	s19 =	sadd.s32 $0x40, s19;
	[tilespmem:s4+$0x0] =	vst.add.f32.msk $0xffff, v3  }
0xf5: {  	[tilespmem:s20+$0x0] =	vst.add.f32.msk $0xffff, v0  }
0xf6: {  	[tilespmem:s22+$0x0] =	vst.add.f32.msk $0xffff, v0  }
0xf7: {  	s2 =	rddreg [dreg:$0x2];
	[tilespmem:s10+$0x0] =	vst.add.f32.msk $0xffff, v0  }
0xf8: {  	s31 =	simm.s32 $0x6000;
	s2 =	sadd.s32 s2, s15;
	[tilespmem:s21+$0x0] =	vst.add.f32.msk $0xffff, v0  }
0xf9: {  	[hbm4b:s2+s23] =	stream.strided.scatter [tilespmem:s31], [sflag:$0x4], $0x8000, s24, s23, $0x38;
	[tilespmem:$0x1E000] =	vst v63  }
0xfa: {  	_ =	swait.ge [sflag:s7], $0x8000  }
0xfb: {  	[sflag:s7] =	ssyncset.done $0x0  }
0xfc: {  	[sflag:s7] =	ssyncadd.s32 $0xFFFF8000  }
0xfd: {  	s4 =	simm.s32 $0x0;
	s10 =	sadd.s32 $0xC00, s12;
	s3 =	rddreg [dreg:$0x1]  }
0xfe: {  	s5 =	simm.s32 $0x4000;
	s12 =	rddreg [dreg:$0x0];
	s3 =	sadd.s32 s3, s10  }
0xff: {  	[tilespmem:s5], [sflag:$0x3] =	stream.linear.gather [hbm4b:s3+s4], $0x2000, $0x38;
	[tilespmem:$0x1E000] =	vst v63  }
0x100: {  	s14 =	simm.s32 $0x16000;
	s2 =	sadd.s32 s12, s10  }
0x101: {  	[tilespmem:s14], [sflag:$0x6] =	stream.strided.gather [hbm4b:s2+s23], $0x8000, s24, s23, $0x38;
	[tilespmem:$0x1E000] =	vst v63  }
0x102: {  	_ =	swait.ge [sflag:s0], $0x2000  }
0x103: {  	[sflag:s0] =	ssyncset.done $0x0  }
0x104: {  	s15 =	sand.u32 $0x40, s4;
	[sflag:s0] =	ssyncadd.s32 $0xFFFFE000  }
0x105: {  	s21 =	sand.u32 $0x1C00, s4;
	s4 =	sand.u32 $0x380, s4;
	_ =	swait.ge [sflag:s1], $0x8000  }
0x106: {  	s22 =	sor.u32 $0x30, s15;
	s3 =	sor.u32 s4, s21;
	[sflag:s1] =	ssyncset.done $0x0  }
0x107: {  	s25 =	sor.u32 s22, s3;
	[sflag:s1] =	ssyncadd.s32 $0xFFFF8000  }
0x108: {  	s6 =	sor.u32 $0x10, s15;
	s8 =	sor.u32 s15, s3;
	v1 =	vld [tilespmem:s25+$0x2000]  }
0x109: {  	s26 =	sor.u32 s6, s3;
	v2 =	vld [tilespmem:s8+$0x2000]  }
0x10a: {  	s14 =	sor.u32 $0x20, s15;
	v3 =	vld [tilespmem:s26+$0x2000]  }
0x10b: {  	s30 =	sor.u32 s14, s3  }
0x10c: {  	s16 =	sor.u32 $0x10000, s3;
	s17 =	sor.u32 $0x12000, s3;
	s5 =	sor.u32 $0xE000, s25;
	v0 =	vld [tilespmem:s30+$0x2000]  }
0x10d: {  	s12 =	sor.u32 s22, s16;
	s3 =	sor.u32 $0x14000, s3;
	s19 =	sor.u32 $0xE000, s8;
	[tilespmem:s5+$0x0] =	vst.add.f32.msk $0xffff, v1  }
0x10e: {  	s18 =	sor.u32 s22, s17;
	s4 =	sor.u32 s22, s3;
	s22 =	sor.u32 $0xE000, s26;
	[tilespmem:s19+$0x0] =	vst.add.f32.msk $0xffff, v2  }
0x10f: {  	[tilespmem:s22+$0x0] =	vst.add.f32.msk $0xffff, v3  }
0x110: {  	s20 =	sor.u32 s15, s16;
	[tilespmem:s12+$0x0] =	vst.add.f32.msk $0xffff, v1  }
0x111: {  	s25 =	sor.u32 s6, s16;
	[tilespmem:s20+$0x0] =	vst.add.f32.msk $0xffff, v2  }
0x112: {  	[tilespmem:s25+$0x0] =	vst.add.f32.msk $0xffff, v3  }
0x113: {  	s21 =	sor.u32 s15, s17;
	[tilespmem:s18+$0x0] =	vst.add.f32.msk $0xffff, v1  }
0x114: {  	s26 =	sor.u32 s6, s17;
	[tilespmem:s21+$0x0] =	vst.add.f32.msk $0xffff, v2  }
0x115: {  	s10 =	sor.u32 s14, s16;
	[tilespmem:s26+$0x0] =	vst.add.f32.msk $0xffff, v3  }
0x116: {  	s2 =	sor.u32 s15, s3;
	s15 =	simm.s32 $0x8;
	s16 =	simm.s32 $0x200;
	[tilespmem:s4+$0x0] =	vst.add.f32.msk $0xffff, v1  }
0x117: {  	s19 =	sor.u32 s14, s3;
	s18 =	sor.u32 $0xE000, s30;
	s30 =	sor.u32 s6, s3;
	[tilespmem:s2+$0x0] =	vst.add.f32.msk $0xffff, v2  }
0x118: {  	s12 =	simm.s32 $0x0;
	s20 =	sor.u32 s14, s17;
	s17 =	simm.s32 $0x40;
	[tilespmem:s30+$0x0] =	vst.add.f32.msk $0xffff, v3  }
.LBB2_11:
0x119: {  	s2 =	sand.u32 $0x40, s17;
	s3 =	sand.u32 $0x1C00, s16;
	s4 =	sand.u32 $0x380, s15;
	[tilespmem:s18+$0x0] =	vst.add.f32.msk $0xffff, v0  }
0x11a: {  	s3 =	sor.u32 s4, s3;
	s4 =	sor.u32 $0x10, s2;
	s5 =	sor.u32 $0x30, s2;
	[tilespmem:s10+$0x0] =	vst.add.f32.msk $0xffff, v0  }
0x11b: {  	s8 =	sor.u32 $0x20, s2;
	s6 =	sor.u32 s2, s3;
	s10 =	sor.u32 s5, s3;
	[tilespmem:s20+$0x0] =	vst.add.f32.msk $0xffff, v0  }
0x11c: {  	s12 =	sadd.s32 $0x4, s12;
	s14 =	sor.u32 s4, s3;
	s20 =	sor.u32 s8, s3;
	v1 =	vld [tilespmem:s10+$0x2000]  }
0x11d: {  	p0 =	slt.u32 s12, $0x1FC;
	s21 =	sor.u32 $0xE000, s14;
	v2 =	vld [tilespmem:s6+$0x2000];
	s6 =	sor.u32 $0xE000, s6  }
0x11e: {  	s18 =	sor.u32 $0xE000, s20;
	v3 =	vld [tilespmem:s14+$0x2000]  }
0x11f: {  	v4 =	vld [tilespmem:s20+$0x2000]  }
0x120: {  	s10 =	sor.u32 $0xE000, s10;
	s14 =	sor.u32 $0x10000, s3;
	[tilespmem:s19+$0x0] =	vst.add.f32.msk $0xffff, v0  }
0x121: {  	s22 =	sor.u32 s2, s14;
	s19 =	sor.u32 $0x12000, s3;
	[tilespmem:s10+$0x0] =	vst.add.f32.msk $0xffff, v1;
	s10 =	sor.u32 s5, s14  }
0x122: {  	s3 =	sor.u32 $0x14000, s3;
	s25 =	sor.u32 s2, s19;
	[tilespmem:s10+$0x0] =	vst.add.f32.msk $0xffff, v1;
	s10 =	sor.u32 s5, s19  }
0x123: {  	s26 =	sor.u32 s4, s14;
	s2 =	sor.u32 s2, s3;
	s5 =	sor.u32 s5, s3;
	[tilespmem:s10+$0x0] =	vst.add.f32.msk $0xffff, v1  }
0x124: {  	s30 =	sor.u32 s4, s19;
	s4 =	sor.u32 s4, s3;
	s10 =	sor.u32 s8, s14;
	[tilespmem:s5+$0x0] =	vst.add.f32.msk $0xffff, v1;
	v0 =	vmov v4  }
0x125: {  	s20 =	sor.u32 s8, s19;
	s19 =	sor.u32 s8, s3;
	[tilespmem:s6+$0x0] =	vst.add.f32.msk $0xffff, v2  }
0x126: {  	[tilespmem:s22+$0x0] =	vst.add.f32.msk $0xffff, v2  }
0x127: {  	[tilespmem:s25+$0x0] =	vst.add.f32.msk $0xffff, v2  }
.Ltmp4:
0x128: {  	[tilespmem:s2+$0x0] =	vst.add.f32.msk $0xffff, v2;
	(pc) =	sbr.rel @p0 .LBB2_11-.Ltmp4, $4  }
0x129: {  	[tilespmem:s21+$0x0] =	vst.add.f32.msk $0xffff, v3  }
0x12a: {  	[tilespmem:s26+$0x0] =	vst.add.f32.msk $0xffff, v3  }
0x12b: {  	[tilespmem:s30+$0x0] =	vst.add.f32.msk $0xffff, v3  }
0x12c: {  	s15 =	sadd.s32 $0x8, s15;
	s16 =	sadd.s32 $0x200, s16;
	s17 =	sadd.s32 $0x40, s17;
	[tilespmem:s4+$0x0] =	vst.add.f32.msk $0xffff, v3  }
0x12d: {  	s11 =	sadd.s32 $0x1, s11  }
0x12e: {  	p0 =	sne.s32 s11, $0x9  }
.Ltmp5:
0x12f: {  	[tilespmem:s18+$0x0] =	vst.add.f32.msk $0xffff, v0;
	(pc) =	sbr.rel @p0 .LBB2_6-.Ltmp5, $4  }
0x130: {  	[tilespmem:s10+$0x0] =	vst.add.f32.msk $0xffff, v0  }
0x131: {  	s2 =	rddreg [dreg:$0x2];
	[tilespmem:s20+$0x0] =	vst.add.f32.msk $0xffff, v0  }
0x132: {  	s6 =	simm.s32 $0xE000;
	s2 =	sadd.s32 s2, s13;
	[tilespmem:s19+$0x0] =	vst.add.f32.msk $0xffff, v0  }
0x133: {  	[hbm4b:s2+s23] =	stream.strided.scatter [tilespmem:s6], [sflag:$0x5], $0x8000, s24, s23, $0x38;
	[tilespmem:$0x1E000] =	vst v63  }
0x134: {  	_ =	swait.ge [sflag:s29], $0x8000  }
0x135: {  	[sflag:s29] =	ssyncset.done $0x0  }
0x136: {  	s2 =	simm.s32 $0x0;
	s3 =	rddreg [dreg:$0xd];
	[sflag:s29] =	ssyncadd.s32 $0xFFFF8000  }
0x137: {  	[tilespmem:s2], [sflag:$0x1] =	stream.linear.gather [hbm4b:s3+s2], $0x2000, $0x38;
	[tilespmem:$0x1E000] =	vst v63  }
0x138: {  	s13 =	simm.s32 $0x3;
	s12 =	rddreg [dreg:$0xe]  }
0x139: {  	[tilespmem:s31], [sflag:$0x4] =	stream.strided.gather [hbm4b:s12+s23], $0x8000, s24, s23, $0x38;
	[tilespmem:$0x1E000] =	vst v63  }
0x13a: {  	_ =	swait.ge [sflag:s13], $0x2000  }
0x13b: {  	[sflag:s13] =	ssyncset.done $0x0  }
0x13c: {  	s14 =	sand.u32 $0x40, s2;
	[sflag:s13] =	ssyncadd.s32 $0xFFFFE000  }
0x13d: {  	s4 =	sand.u32 $0x1C00, s2;
	s2 =	sand.u32 $0x380, s2;
	_ =	swait.ge [sflag:s7], $0x8000  }
0x13e: {  	s15 =	sor.u32 $0x30, s14;
	s2 =	sor.u32 s2, s4;
	[sflag:s7] =	ssyncset.done $0x0  }
0x13f: {  	s5 =	sor.u32 s15, s2;
	[sflag:s7] =	ssyncadd.s32 $0xFFFF8000  }
0x140: {  	s6 =	sor.u32 $0x10, s14;
	s8 =	sor.u32 s14, s2;
	v1 =	vld [tilespmem:s5+$0x4000]  }
0x141: {  	s9 =	sor.u32 s6, s2;
	v2 =	vld [tilespmem:s8+$0x4000]  }
0x142: {  	s11 =	sor.u32 $0x20, s14;
	v3 =	vld [tilespmem:s9+$0x4000]  }
0x143: {  	s10 =	sor.u32 s11, s2  }
0x144: {  	v0 =	vld [tilespmem:s10+$0x4000];
	s5 =	sor.u32 $0x16000, s5  }
0x145: {  	s18 =	sor.u32 $0x16000, s8;
	[tilespmem:s5+$0x0] =	vst.add.f32.msk $0xffff, v1  }
0x146: {  	s12 =	sor.u32 $0x18000, s2;
	s21 =	sor.u32 $0x16000, s9;
	[tilespmem:s18+$0x0] =	vst.add.f32.msk $0xffff, v2  }
0x147: {  	s16 =	sor.u32 s15, s12;
	[tilespmem:s21+$0x0] =	vst.add.f32.msk $0xffff, v3  }
0x148: {  	s19 =	sor.u32 s14, s12;
	[tilespmem:s16+$0x0] =	vst.add.f32.msk $0xffff, v1  }
0x149: {  	s22 =	sor.u32 s6, s12;
	s13 =	sor.u32 $0x1A000, s2;
	[tilespmem:s19+$0x0] =	vst.add.f32.msk $0xffff, v2  }
0x14a: {  	s17 =	sor.u32 s15, s13;
	[tilespmem:s22+$0x0] =	vst.add.f32.msk $0xffff, v3  }
0x14b: {  	s20 =	sor.u32 s14, s13;
	[tilespmem:s17+$0x0] =	vst.add.f32.msk $0xffff, v1  }
0x14c: {  	s2 =	sor.u32 $0x1C000, s2;
	s26 =	sor.u32 s6, s13;
	[tilespmem:s20+$0x0] =	vst.add.f32.msk $0xffff, v2  }
0x14d: {  	s25 =	simm.s32 $0xE000;
	s4 =	sor.u32 s15, s2;
	s3 =	sor.u32 s14, s2;
	[tilespmem:s26+$0x0] =	vst.add.f32.msk $0xffff, v3  }
0x14e: {  	s15 =	sor.u32 $0x16000, s10;
	s30 =	sor.u32 s6, s2;
	s9 =	simm.s32 $0x0;
	[tilespmem:s4+$0x0] =	vst.add.f32.msk $0xffff, v1  }
0x14f: {  	s10 =	sor.u32 s11, s12;
	s12 =	simm.s32 $0x200;
	s16 =	sor.u32 s11, s2;
	[tilespmem:s3+$0x0] =	vst.add.f32.msk $0xffff, v2  }
0x150: {  	s17 =	sor.u32 s11, s13;
	s11 =	simm.s32 $0x8;
	s13 =	simm.s32 $0x40;
	[tilespmem:s30+$0x0] =	vst.add.f32.msk $0xffff, v3  }
.LBB2_14:
0x151: {  	s2 =	sand.u32 $0x40, s13;
	s3 =	sand.u32 $0x1C00, s12;
	s4 =	sand.u32 $0x380, s11;
	[tilespmem:s15+$0x0] =	vst.add.f32.msk $0xffff, v0  }
0x152: {  	s3 =	sor.u32 s4, s3;
	s4 =	sor.u32 $0x10, s2;
	s5 =	sor.u32 $0x30, s2;
	[tilespmem:s10+$0x0] =	vst.add.f32.msk $0xffff, v0  }
0x153: {  	s8 =	sor.u32 $0x20, s2;
	s6 =	sor.u32 s2, s3;
	s10 =	sor.u32 s5, s3;
	[tilespmem:s17+$0x0] =	vst.add.f32.msk $0xffff, v0  }
0x154: {  	s9 =	sadd.s32 $0x4, s9;
	s14 =	sor.u32 s4, s3;
	s17 =	sor.u32 s8, s3;
	v1 =	vld [tilespmem:s10+$0x4000]  }
0x155: {  	p0 =	slt.u32 s9, $0x1FC;
	s18 =	sor.u32 $0x16000, s14;
	v2 =	vld [tilespmem:s6+$0x4000];
	s6 =	sor.u32 $0x16000, s6  }
0x156: {  	s15 =	sor.u32 $0x16000, s17;
	v3 =	vld [tilespmem:s14+$0x4000]  }
0x157: {  	v4 =	vld [tilespmem:s17+$0x4000]  }
0x158: {  	s10 =	sor.u32 $0x16000, s10;
	s14 =	sor.u32 $0x18000, s3;
	[tilespmem:s16+$0x0] =	vst.add.f32.msk $0xffff, v0  }
0x159: {  	s19 =	sor.u32 s2, s14;
	s16 =	sor.u32 $0x1A000, s3;
	[tilespmem:s10+$0x0] =	vst.add.f32.msk $0xffff, v1;
	s10 =	sor.u32 s5, s14  }
0x15a: {  	s3 =	sor.u32 $0x1C000, s3;
	s20 =	sor.u32 s2, s16;
	[tilespmem:s10+$0x0] =	vst.add.f32.msk $0xffff, v1;
	s10 =	sor.u32 s5, s16  }
0x15b: {  	s21 =	sor.u32 s4, s14;
	s2 =	sor.u32 s2, s3;
	s5 =	sor.u32 s5, s3;
	[tilespmem:s10+$0x0] =	vst.add.f32.msk $0xffff, v1  }
0x15c: {  	s22 =	sor.u32 s4, s16;
	s4 =	sor.u32 s4, s3;
	s10 =	sor.u32 s8, s14;
	[tilespmem:s5+$0x0] =	vst.add.f32.msk $0xffff, v1;
	v0 =	vmov v4  }
0x15d: {  	s17 =	sor.u32 s8, s16;
	s16 =	sor.u32 s8, s3;
	[tilespmem:s6+$0x0] =	vst.add.f32.msk $0xffff, v2  }
0x15e: {  	[tilespmem:s19+$0x0] =	vst.add.f32.msk $0xffff, v2  }
0x15f: {  	[tilespmem:s20+$0x0] =	vst.add.f32.msk $0xffff, v2  }
.Ltmp6:
0x160: {  	[tilespmem:s2+$0x0] =	vst.add.f32.msk $0xffff, v2;
	(pc) =	sbr.rel @p0 .LBB2_14-.Ltmp6, $4  }
0x161: {  	[tilespmem:s18+$0x0] =	vst.add.f32.msk $0xffff, v3  }
0x162: {  	[tilespmem:s21+$0x0] =	vst.add.f32.msk $0xffff, v3  }
0x163: {  	[tilespmem:s22+$0x0] =	vst.add.f32.msk $0xffff, v3  }
0x164: {  	s11 =	sadd.s32 $0x8, s11;
	s12 =	sadd.s32 $0x200, s12;
	s13 =	sadd.s32 $0x40, s13;
	[tilespmem:s4+$0x0] =	vst.add.f32.msk $0xffff, v3  }
0x165: {  	[tilespmem:s15+$0x0] =	vst.add.f32.msk $0xffff, v0  }
0x166: {  	[tilespmem:s10+$0x0] =	vst.add.f32.msk $0xffff, v0  }
0x167: {  	[tilespmem:s17+$0x0] =	vst.add.f32.msk $0xffff, v0  }
0x168: {  	[tilespmem:s16+$0x0] =	vst.add.f32.msk $0xffff, v0  }
0x169: {  	s3 =	simm.s32 $0x16000;
	s2 =	rddreg [dreg:$0xf]  }
0x16a: {  	[hbm4b:s2+s23] =	stream.strided.scatter [tilespmem:s3], [sflag:$0x6], $0x8000, s24, s23, $0x38;
	[tilespmem:$0x1E000] =	vst v63  }
0x16b: {  	_ =	swait.ge [sflag:s1], $0x8000  }
0x16c: {  	[sflag:s1] =	ssyncset.done $0x0  }
0x16d: {  	s11 =	simm.s32 $0x0;
	s12 =	rddreg [dreg:$0x10];
	[sflag:s1] =	ssyncadd.s32 $0xFFFF8000  }
0x16e: {  	[tilespmem:s23], [sflag:$0x2] =	stream.linear.gather [hbm4b:s12+s11], $0x2000, $0x38;
	[tilespmem:$0x1E000] =	vst v63  }
0x16f: {  	s13 =	rddreg [dreg:$0x11]  }
0x170: {  	[tilespmem:s25], [sflag:$0x5] =	stream.strided.gather [hbm4b:s13+s23], $0x8000, s24, s23, $0x38;
	[tilespmem:$0x1E000] =	vst v63  }
0x171: {  	_ =	swait.ge [sflag:s28], $0x2000  }
0x172: {  	[sflag:s28] =	ssyncset.done $0x0  }
0x173: {  	s14 =	sand.u32 $0x40, s11;
	[sflag:s28] =	ssyncadd.s32 $0xFFFFE000  }
0x174: {  	s4 =	sand.u32 $0x1C00, s11;
	s2 =	sand.u32 $0x380, s11;
	_ =	swait.ge [sflag:s29], $0x8000  }
0x175: {  	s15 =	sor.u32 $0x30, s14;
	s2 =	sor.u32 s2, s4;
	[sflag:s29] =	ssyncset.done $0x0  }
0x176: {  	s5 =	sor.u32 s15, s2;
	[sflag:s29] =	ssyncadd.s32 $0xFFFF8000  }
0x177: {  	s6 =	sor.u32 $0x10, s14;
	s8 =	sor.u32 s14, s2;
	v1 =	vld [tilespmem:s5+$0x0]  }
0x178: {  	s9 =	sor.u32 s6, s2;
	v2 =	vld [tilespmem:s8+$0x0]  }
0x179: {  	s11 =	sor.u32 $0x20, s14;
	v3 =	vld [tilespmem:s9+$0x0]  }
0x17a: {  	s16 =	sor.u32 s11, s2  }
0x17b: {  	v0 =	vld [tilespmem:s16+$0x0];
	s5 =	sor.u32 $0x6000, s5  }
0x17c: {  	s19 =	sor.u32 $0x6000, s8;
	[tilespmem:s5+$0x0] =	vst.add.f32.msk $0xffff, v1  }
0x17d: {  	s22 =	sor.u32 $0x6000, s9;
	s12 =	sor.u32 $0x8000, s2;
	[tilespmem:s19+$0x0] =	vst.add.f32.msk $0xffff, v2  }
0x17e: {  	s17 =	sor.u32 s15, s12;
	[tilespmem:s22+$0x0] =	vst.add.f32.msk $0xffff, v3  }
0x17f: {  	s20 =	sor.u32 s14, s12;
	[tilespmem:s17+$0x0] =	vst.add.f32.msk $0xffff, v1  }
0x180: {  	s13 =	sor.u32 $0xA000, s2;
	s25 =	sor.u32 s6, s12;
	[tilespmem:s20+$0x0] =	vst.add.f32.msk $0xffff, v2  }
0x181: {  	s18 =	sor.u32 s15, s13;
	[tilespmem:s25+$0x0] =	vst.add.f32.msk $0xffff, v3  }
0x182: {  	s21 =	sor.u32 s14, s13;
	[tilespmem:s18+$0x0] =	vst.add.f32.msk $0xffff, v1  }
0x183: {  	s2 =	sor.u32 $0xC000, s2;
	s26 =	sor.u32 s6, s13;
	[tilespmem:s21+$0x0] =	vst.add.f32.msk $0xffff, v2  }
0x184: {  	s10 =	sor.u32 s11, s12;
	s4 =	sor.u32 s15, s2;
	[tilespmem:s26+$0x0] =	vst.add.f32.msk $0xffff, v3  }
0x185: {  	s12 =	simm.s32 $0x200;
	s3 =	sor.u32 s14, s2;
	s15 =	sor.u32 $0x6000, s16;
	[tilespmem:s4+$0x0] =	vst.add.f32.msk $0xffff, v1  }
0x186: {  	s30 =	sor.u32 s6, s2;
	s9 =	simm.s32 $0x0;
	s16 =	sor.u32 s11, s2;
	[tilespmem:s3+$0x0] =	vst.add.f32.msk $0xffff, v2  }
0x187: {  	s17 =	sor.u32 s11, s13;
	s11 =	simm.s32 $0x8;
	s13 =	simm.s32 $0x40;
	[tilespmem:s30+$0x0] =	vst.add.f32.msk $0xffff, v3  }
.LBB2_16:
0x188: {  	s2 =	sand.u32 $0x40, s13;
	s3 =	sand.u32 $0x1C00, s12;
	s4 =	sand.u32 $0x380, s11;
	[tilespmem:s15+$0x0] =	vst.add.f32.msk $0xffff, v0  }
0x189: {  	s3 =	sor.u32 s4, s3;
	s4 =	sor.u32 $0x10, s2;
	s5 =	sor.u32 $0x30, s2;
	[tilespmem:s10+$0x0] =	vst.add.f32.msk $0xffff, v0  }
0x18a: {  	s8 =	sor.u32 $0x20, s2;
	s6 =	sor.u32 s2, s3;
	s10 =	sor.u32 s5, s3;
	[tilespmem:s17+$0x0] =	vst.add.f32.msk $0xffff, v0  }
0x18b: {  	s9 =	sadd.s32 $0x4, s9;
	s14 =	sor.u32 s4, s3;
	s17 =	sor.u32 s8, s3;
	v1 =	vld [tilespmem:s10+$0x0]  }
0x18c: {  	p0 =	slt.u32 s9, $0x1FC;
	s18 =	sor.u32 $0x6000, s14;
	v2 =	vld [tilespmem:s6+$0x0];
	s6 =	sor.u32 $0x6000, s6  }
0x18d: {  	s15 =	sor.u32 $0x6000, s17;
	v3 =	vld [tilespmem:s14+$0x0]  }
0x18e: {  	v4 =	vld [tilespmem:s17+$0x0]  }
0x18f: {  	s10 =	sor.u32 $0x6000, s10;
	s14 =	sor.u32 $0x8000, s3;
	[tilespmem:s16+$0x0] =	vst.add.f32.msk $0xffff, v0  }
0x190: {  	s19 =	sor.u32 s2, s14;
	s16 =	sor.u32 $0xA000, s3;
	[tilespmem:s10+$0x0] =	vst.add.f32.msk $0xffff, v1;
	s10 =	sor.u32 s5, s14  }
0x191: {  	s3 =	sor.u32 $0xC000, s3;
	s20 =	sor.u32 s2, s16;
	[tilespmem:s10+$0x0] =	vst.add.f32.msk $0xffff, v1;
	s10 =	sor.u32 s5, s16  }
0x192: {  	s21 =	sor.u32 s4, s14;
	s2 =	sor.u32 s2, s3;
	s5 =	sor.u32 s5, s3;
	[tilespmem:s10+$0x0] =	vst.add.f32.msk $0xffff, v1  }
0x193: {  	s22 =	sor.u32 s4, s16;
	s4 =	sor.u32 s4, s3;
	s10 =	sor.u32 s8, s14;
	[tilespmem:s5+$0x0] =	vst.add.f32.msk $0xffff, v1;
	v0 =	vmov v4  }
0x194: {  	s17 =	sor.u32 s8, s16;
	s16 =	sor.u32 s8, s3;
	[tilespmem:s6+$0x0] =	vst.add.f32.msk $0xffff, v2  }
0x195: {  	[tilespmem:s19+$0x0] =	vst.add.f32.msk $0xffff, v2  }
0x196: {  	[tilespmem:s20+$0x0] =	vst.add.f32.msk $0xffff, v2  }
.Ltmp7:
0x197: {  	[tilespmem:s2+$0x0] =	vst.add.f32.msk $0xffff, v2;
	(pc) =	sbr.rel @p0 .LBB2_16-.Ltmp7, $4  }
0x198: {  	[tilespmem:s18+$0x0] =	vst.add.f32.msk $0xffff, v3  }
0x199: {  	[tilespmem:s21+$0x0] =	vst.add.f32.msk $0xffff, v3  }
0x19a: {  	[tilespmem:s22+$0x0] =	vst.add.f32.msk $0xffff, v3  }
0x19b: {  	s11 =	sadd.s32 $0x8, s11;
	s12 =	sadd.s32 $0x200, s12;
	s13 =	sadd.s32 $0x40, s13;
	[tilespmem:s4+$0x0] =	vst.add.f32.msk $0xffff, v3  }
0x19c: {  	[tilespmem:s15+$0x0] =	vst.add.f32.msk $0xffff, v0  }
0x19d: {  	[tilespmem:s10+$0x0] =	vst.add.f32.msk $0xffff, v0  }
0x19e: {  	[tilespmem:s17+$0x0] =	vst.add.f32.msk $0xffff, v0  }
0x19f: {  	[tilespmem:s16+$0x0] =	vst.add.f32.msk $0xffff, v0  }
0x1a0: {  	s2 =	rddreg [dreg:$0x12]  }
0x1a1: {  	[hbm4b:s2+s23] =	stream.strided.scatter [tilespmem:s31], [sflag:$0x4], $0x8000, s24, s23, $0x38;
	[tilespmem:$0x1E000] =	vst v63  }
0x1a2: {  	_ =	swait.ge [sflag:s7], $0x8000  }
0x1a3: {  	[sflag:s7] =	ssyncset.done $0x0  }
0x1a4: {  	[sflag:s7] =	ssyncadd.s32 $0xFFFF8000  }
0x1a5: {  	_ =	swait.ge [sflag:s0], $0x2000  }
0x1a6: {  	s14 =	simm.s32 $0x0;
	[sflag:s0] =	ssyncset.done $0x0  }
0x1a7: {  	s3 =	sand.u32 $0x40, s14;
	[sflag:s0] =	ssyncadd.s32 $0xFFFFE000  }
0x1a8: {  	s4 =	sand.u32 $0x1C00, s14;
	s2 =	sand.u32 $0x380, s14;
	_ =	swait.ge [sflag:s1], $0x8000  }
0x1a9: {  	s15 =	sor.u32 $0x30, s3;
	s2 =	sor.u32 s2, s4;
	[sflag:s1] =	ssyncset.done $0x0  }
0x1aa: {  	s5 =	sor.u32 s15, s2;
	[sflag:s1] =	ssyncadd.s32 $0xFFFF8000  }
0x1ab: {  	s6 =	sor.u32 $0x10, s3;
	s8 =	sor.u32 s3, s2;
	v1 =	vld [tilespmem:s5+$0x2000]  }
0x1ac: {  	s9 =	sor.u32 s6, s2;
	v2 =	vld [tilespmem:s8+$0x2000]  }
0x1ad: {  	s11 =	sor.u32 $0x20, s3;
	v3 =	vld [tilespmem:s9+$0x2000]  }
0x1ae: {  	s16 =	sor.u32 s11, s2  }
0x1af: {  	v0 =	vld [tilespmem:s16+$0x2000];
	s5 =	sor.u32 $0xE000, s5  }
0x1b0: {  	s19 =	sor.u32 $0xE000, s8;
	[tilespmem:s5+$0x0] =	vst.add.f32.msk $0xffff, v1  }
0x1b1: {  	s12 =	sor.u32 $0x10000, s2;
	s22 =	sor.u32 $0xE000, s9;
	[tilespmem:s19+$0x0] =	vst.add.f32.msk $0xffff, v2  }
0x1b2: {  	s17 =	sor.u32 s15, s12;
	[tilespmem:s22+$0x0] =	vst.add.f32.msk $0xffff, v3  }
0x1b3: {  	s20 =	sor.u32 s3, s12;
	[tilespmem:s17+$0x0] =	vst.add.f32.msk $0xffff, v1  }
0x1b4: {  	s13 =	sor.u32 $0x12000, s2;
	s25 =	sor.u32 s6, s12;
	[tilespmem:s20+$0x0] =	vst.add.f32.msk $0xffff, v2  }
0x1b5: {  	s18 =	sor.u32 s15, s13;
	[tilespmem:s25+$0x0] =	vst.add.f32.msk $0xffff, v3  }
0x1b6: {  	s21 =	sor.u32 s3, s13;
	[tilespmem:s18+$0x0] =	vst.add.f32.msk $0xffff, v1  }
0x1b7: {  	s2 =	sor.u32 $0x14000, s2;
	s26 =	sor.u32 s6, s13;
	[tilespmem:s21+$0x0] =	vst.add.f32.msk $0xffff, v2  }
0x1b8: {  	s4 =	sor.u32 s15, s2;
	s3 =	sor.u32 s3, s2;
	[tilespmem:s26+$0x0] =	vst.add.f32.msk $0xffff, v3  }
0x1b9: {  	s15 =	sor.u32 $0xE000, s16;
	s30 =	sor.u32 s6, s2;
	s10 =	sor.u32 s11, s12;
	[tilespmem:s4+$0x0] =	vst.add.f32.msk $0xffff, v1  }
0x1ba: {  	s12 =	simm.s32 $0x200;
	s9 =	simm.s32 $0x0;
	s16 =	sor.u32 s11, s2;
	[tilespmem:s3+$0x0] =	vst.add.f32.msk $0xffff, v2  }
0x1bb: {  	s17 =	sor.u32 s11, s13;
	s11 =	simm.s32 $0x8;
	s13 =	simm.s32 $0x40;
	[tilespmem:s30+$0x0] =	vst.add.f32.msk $0xffff, v3  }
.LBB2_18:
0x1bc: {  	s2 =	sand.u32 $0x40, s13;
	s3 =	sand.u32 $0x1C00, s12;
	s4 =	sand.u32 $0x380, s11;
	[tilespmem:s15+$0x0] =	vst.add.f32.msk $0xffff, v0  }
0x1bd: {  	s3 =	sor.u32 s4, s3;
	s4 =	sor.u32 $0x10, s2;
	s5 =	sor.u32 $0x30, s2;
	[tilespmem:s10+$0x0] =	vst.add.f32.msk $0xffff, v0  }
0x1be: {  	s8 =	sor.u32 $0x20, s2;
	s6 =	sor.u32 s2, s3;
	s10 =	sor.u32 s5, s3;
	[tilespmem:s17+$0x0] =	vst.add.f32.msk $0xffff, v0  }
0x1bf: {  	s9 =	sadd.s32 $0x4, s9;
	s14 =	sor.u32 s4, s3;
	s17 =	sor.u32 s8, s3;
	v1 =	vld [tilespmem:s10+$0x2000]  }
0x1c0: {  	p0 =	slt.u32 s9, $0x1FC;
	s18 =	sor.u32 $0xE000, s14;
	v2 =	vld [tilespmem:s6+$0x2000];
	s6 =	sor.u32 $0xE000, s6  }
0x1c1: {  	s15 =	sor.u32 $0xE000, s17;
	v3 =	vld [tilespmem:s14+$0x2000]  }
0x1c2: {  	v4 =	vld [tilespmem:s17+$0x2000]  }
0x1c3: {  	s10 =	sor.u32 $0xE000, s10;
	s14 =	sor.u32 $0x10000, s3;
	[tilespmem:s16+$0x0] =	vst.add.f32.msk $0xffff, v0  }
0x1c4: {  	s19 =	sor.u32 s2, s14;
	s16 =	sor.u32 $0x12000, s3;
	[tilespmem:s10+$0x0] =	vst.add.f32.msk $0xffff, v1;
	s10 =	sor.u32 s5, s14  }
0x1c5: {  	s3 =	sor.u32 $0x14000, s3;
	s20 =	sor.u32 s2, s16;
	[tilespmem:s10+$0x0] =	vst.add.f32.msk $0xffff, v1;
	s10 =	sor.u32 s5, s16  }
0x1c6: {  	s21 =	sor.u32 s4, s14;
	s2 =	sor.u32 s2, s3;
	s5 =	sor.u32 s5, s3;
	[tilespmem:s10+$0x0] =	vst.add.f32.msk $0xffff, v1  }
0x1c7: {  	s22 =	sor.u32 s4, s16;
	s4 =	sor.u32 s4, s3;
	s10 =	sor.u32 s8, s14;
	[tilespmem:s5+$0x0] =	vst.add.f32.msk $0xffff, v1;
	v0 =	vmov v4  }
0x1c8: {  	s17 =	sor.u32 s8, s16;
	s16 =	sor.u32 s8, s3;
	[tilespmem:s6+$0x0] =	vst.add.f32.msk $0xffff, v2  }
0x1c9: {  	[tilespmem:s19+$0x0] =	vst.add.f32.msk $0xffff, v2  }
0x1ca: {  	[tilespmem:s20+$0x0] =	vst.add.f32.msk $0xffff, v2  }
.Ltmp8:
0x1cb: {  	[tilespmem:s2+$0x0] =	vst.add.f32.msk $0xffff, v2;
	(pc) =	sbr.rel @p0 .LBB2_18-.Ltmp8, $4  }
0x1cc: {  	[tilespmem:s18+$0x0] =	vst.add.f32.msk $0xffff, v3  }
0x1cd: {  	[tilespmem:s21+$0x0] =	vst.add.f32.msk $0xffff, v3  }
0x1ce: {  	[tilespmem:s22+$0x0] =	vst.add.f32.msk $0xffff, v3  }
0x1cf: {  	s11 =	sadd.s32 $0x8, s11;
	s12 =	sadd.s32 $0x200, s12;
	s13 =	sadd.s32 $0x40, s13;
	[tilespmem:s4+$0x0] =	vst.add.f32.msk $0xffff, v3  }
0x1d0: {  	[tilespmem:s15+$0x0] =	vst.add.f32.msk $0xffff, v0  }
0x1d1: {  	[tilespmem:s10+$0x0] =	vst.add.f32.msk $0xffff, v0  }
0x1d2: {  	[tilespmem:s17+$0x0] =	vst.add.f32.msk $0xffff, v0  }
0x1d3: {  	[tilespmem:s16+$0x0] =	vst.add.f32.msk $0xffff, v0  }
0x1d4: {  	s6 =	simm.s32 $0xE000;
	s2 =	rddreg [dreg:$0x13]  }
0x1d5: {  	[hbm4b:s2+s23] =	stream.strided.scatter [tilespmem:s6], [sflag:$0x5], $0x8000, s24, s23, $0x38;
	[tilespmem:$0x1E000] =	vst v63  }
0x1d6: {  	_ =	swait.ge [sflag:s29], $0x8000  }
0x1d7: {  	[sflag:s29] =	ssyncset.done $0x0  }
0x1d8: {  	[sflag:s29] =	ssyncadd.s32 $0xFFFF8000  }
0x1d9: {  	_ =	swait.ge [sflag:s1], $0x8000  }
0x1da: {  	s3 =	rddreg [dreg:$0x15]  }
0x1db: {  	s30 =	rddreg [dreg:$0x14];
	s3 =	sadd.s32 $0x1, s3  }
0x1dc: {  	p0 =	sne.s32 s3, s30  }
.Ltmp9:
0x1dd: {  	_ = 	snop;
	(pc) =	sbr.rel @p0 .LBB2_1-.Ltmp9, $3  }
0x1de: {  	_ =	sdelay $0x1  }
0x1df: {  	[sflag:s1] =	ssyncset.done $0x0  }
0x1e0: {  	[sflag:s1] =	ssyncadd.s32 $0xFFFF8000  }
0x1e1: {  	_ =	sfence.sel $0x180000  }
0x1e2: {  	[bflag:$0x0] =	sbarrier.arrive $0xFFFF  }
0x1e3: {  	_ =	strace $0x90000047  }
0x1e4: {  	s0 =	stileid.u32;
	[bflag:$0x2] =	sbarrier.arrive $0xFFFF  }
0x1e5: {  	p0 =	sne.s32 s0, $0x0;
	s0 =	rddreg [dreg:$0x3]  }
0x1e6: {  	s0 =	sadd.s32 @!p0 $0x100000, s0  }
0x1e7: {  	[sflag:s0] =	ssyncadd.tile.s32 @!p0 $0x1;
	_ =	shalt  }
.Lfunc_end2:
_tile_overlayer_lowered:
.L_overlay_start_2:
0x1e8: {  	(tag) =	ssettag $0x2  }
0x1e9: {  	s0 =	rddreg [dreg:$0x0];
	s2 =	stileid.u32  }
0x1ea: {  	s1 =	rddreg [dreg:$0x1];
	p0 =	sne.s32 s2, $0x0  }
0x1eb: {  	s3 =	rddreg [dreg:$0x2];
	[bflag:$0x3] =	sbarrier.arrive $0xFFFF;
	s2 =	simm.s32 @!p0 $0x1C07  }
0x1ec: {  	[timem:s3], [sflag:s2] =	dma.local @!p0 [hbm:s0], s1  }
0x1ed: {  	s0 =	simm.s32 @!p0 $0x7  }
0x1ee: {  	_ =	swait.ge @!p0 [sflag:s0], s1  }
0x1ef: {  	s1 =	ssub.s32 @!p0 $0x0, s1;
	[sflag:s0] =	ssyncset.done @!p0 $0x0  }
0x1f0: {  	[sflag:s0] =	ssyncadd.s32 @!p0 s1  }
0x1f1: {  	[bflag:$0x3] =	sbarrier.arrive $0xFFFF  }
0x1f2: {  	_ =	shalt  }

</sc_bundles>
